<compile_context>
chip_gen: v7x
topology: tpu7x:2x2x1
jax: 0.10.2.dev20260603
libtpu: 0.0.44.dev20260713+nightly
codegen_flags: <defaults>
</compile_context>

<pallas_src>
import functools

import jax
import jax.numpy as jnp
from jax import lax
from jax.experimental import pallas as pl
from jax.experimental.pallas import tpu as pltpu
from jax.experimental.pallas import tpu_sc as plsc

CH = 40
VIA_A = [1, 2, 3, 5, 6, 7]
VIA_B = [9, 10, 11, 13, 14, 15]
DIR_A = [0, 4]
DIR_B = [8, 12]
BODY = 16


def _sc_gather(table, idx_flat):
    B = idx_flat.shape[0]
    D = table.shape[1]
    info = plsc.get_sparse_core_info()
    NC, NS = info.num_cores, info.num_subcores
    NW = NC * NS
    b_per_w = B // NW
    n_chunks = b_per_w // CH
    n_steps = n_chunks // BODY
    assert b_per_w % CH == 0 and n_chunks % BODY == 0

    mesh = plsc.VectorSubcoreMesh(core_axis_name="c", subcore_axis_name="s")

    @functools.partial(
        pl.kernel,
        mesh=mesh,
        out_type=jax.ShapeDtypeStruct((B, D), jnp.float32),
        scratch_types=[
            pltpu.VMEM((b_per_w,), jnp.int32),
            pltpu.VMEM_SHARED((NS, 6, CH, D), jnp.float32),
            *[pltpu.VMEM((CH, D), jnp.float32) for _ in range(10)],
            *[pltpu.SemaphoreType.DMA for _ in range(10)],
            *[pltpu.SemaphoreType.DMA for _ in range(6)],
            *[pltpu.SemaphoreType.DMA for _ in range(6)],
            *[pltpu.SemaphoreType.DMA for _ in range(4)],
        ],
    )
    def k(table_hbm, idx_hbm, out_hbm, idx_v, spm, *rest):
        v = rest[0:6]
        d = rest[6:10]
        gv = rest[10:16]
        gd = rest[16:20]
        xsem = rest[20:26]
        dsem = rest[26:32]
        wsem = rest[32:36]
        sid = lax.axis_index("s")
        wid = sid * NC + lax.axis_index("c")
        base = wid * b_per_w

        pltpu.sync_copy(idx_hbm.at[pl.ds(base, b_per_w)], idx_v)

        def gather_copy(g, buf, sem):
            return pltpu.make_async_copy(
                table_hbm.at[idx_v.at[pl.ds(g * CH, CH)]], buf, sem
            )

        def write_copy(g, buf, sem):
            return pltpu.make_async_copy(
                buf, out_hbm.at[pl.ds(base + g * CH, CH)], sem
            )

        def xbar_copy(k_, buf):
            return pltpu.make_async_copy(buf, spm.at[sid, k_], xsem[k_])

        def drain_copy(g, k_):
            return pltpu.make_async_copy(
                spm.at[sid, k_], out_hbm.at[pl.ds(base + g * CH, CH)], dsem[k_]
            )

        for k_, j in enumerate(VIA_A):
            gather_copy(j, v[k_], gv[k_]).start()
        for l_, j in enumerate(DIR_A + DIR_B):
            gather_copy(j, d[l_], gd[l_]).start()

        def body(s, carry):
            g0 = s * BODY
            for k_, j in enumerate(VIA_A):
                g = g0 + j
                gather_copy(g, v[k_], gv[k_]).wait()

                @pl.when(s > 0)
                def _():
                    drain_copy(g, k_).wait()

                xbar_copy(k_, v[k_]).start()
                xbar_copy(k_, v[k_]).wait()
                drain_copy(g, k_).start()
                gather_copy(g + 8, v[k_], gv[k_]).start()
            for l_, j in enumerate(DIR_A):
                g = g0 + j
                gather_copy(g, d[l_], gd[l_]).wait()
                write_copy(g, d[l_], wsem[l_]).start()
            for k_, j in enumerate(VIA_B):
                g = g0 + j
                gather_copy(g, v[k_], gv[k_]).wait()
                drain_copy(g, k_).wait()
                xbar_copy(k_, v[k_]).start()
                xbar_copy(k_, v[k_]).wait()
                drain_copy(g, k_).start()

                @pl.when(s < n_steps - 1)
                def _():
                    gather_copy(g0 + BODY + VIA_A[k_], v[k_], gv[k_]).start()
            for l_, j in enumerate(DIR_B):
                g = g0 + j
                gather_copy(g, d[2 + l_], gd[2 + l_]).wait()
                write_copy(g, d[2 + l_], wsem[2 + l_]).start()
            for l_, j in enumerate(DIR_A + DIR_B):
                write_copy(g0 + j, d[l_], wsem[l_]).wait()

                @pl.when(s < n_steps - 1)
                def _():
                    gather_copy(g0 + BODY + j, d[l_], gd[l_]).start()
            return carry

        lax.fori_loop(0, n_steps, body, 0)
        for k_, j in enumerate(VIA_B):
            drain_copy((n_steps - 1) * BODY + j, k_).wait()

    return k(table, idx_flat)


def kernel(x, emb):
    S0, S1 = x.shape
    idx_t = x.T.reshape(S0 * S1).astype(jnp.int32)
    out = _sc_gather(emb, idx_t)
    return out.reshape(S1, S0, emb.shape[1]).transpose(1, 0, 2)

# --- scband reference (transcript-rebuilt; emitter-appended) ---
"""Pipeline reference for scband-embeddings-72146860638955 (READ-ONLY COPY).

The authoritative reference and input builder live on the scoring server;
editing this copy changes nothing except your own understanding.
"""

import jax, jax.numpy as jnp
import numpy as np

VOCAB = 100000
D_MODEL = 128

def setup_inputs(seed: int = 0) -> dict:
    key = jax.random.key(seed)
    k1, k2 = jax.random.split(key)
    x = jax.random.randint(k1, (4096, 50), 0, VOCAB, dtype=jnp.int64) if jax.config.jax_enable_x64 else jax.random.randint(k1, (4096, 50), 0, VOCAB, dtype=jnp.int32)
    emb = jax.random.normal(k2, (VOCAB, D_MODEL), dtype=jnp.float32)
    return {"x": x, "emb": emb}

def reference(x, emb):
    # Faithful translation of Embeddings.forward: out = lut(x)
    return jnp.take(emb, x, axis=0)

if __name__ == "__main__":
    import jax
    _d = setup_inputs()
    print(jax.jit(kernel)(*tuple(_d.values())))

</pallas_src>

<mosaic_0001>
#map = affine_map<(d0, d1) -> (0, 0)>
#map1 = affine_map<(d0, d1) -> (0)>
module attributes {stable_mosaic.version = 14 : i64} {
  func.func @k(%arg0: i32, %arg1: i32, %arg2: memref<100000x128xf32, #tpu.memory_space<hbm>>, %arg3: memref<204800xi32, #tpu.memory_space<hbm>>, %arg4: memref<204800x128xf32, #tpu.memory_space<hbm>>, %arg5: memref<6400xi32, #tpu.memory_space<vmem>>, %arg6: memref<16x6x40x128xf32, #tpu.memory_space<vmem_shared>>, %arg7: memref<40x128xf32, #tpu.memory_space<vmem>>, %arg8: memref<40x128xf32, #tpu.memory_space<vmem>>, %arg9: memref<40x128xf32, #tpu.memory_space<vmem>>, %arg10: memref<40x128xf32, #tpu.memory_space<vmem>>, %arg11: memref<40x128xf32, #tpu.memory_space<vmem>>, %arg12: memref<40x128xf32, #tpu.memory_space<vmem>>, %arg13: memref<40x128xf32, #tpu.memory_space<vmem>>, %arg14: memref<40x128xf32, #tpu.memory_space<vmem>>, %arg15: memref<40x128xf32, #tpu.memory_space<vmem>>, %arg16: memref<40x128xf32, #tpu.memory_space<vmem>>, %arg17: memref<!tpu.dma_semaphore, #tpu.memory_space<semaphore_mem>>, %arg18: memref<!tpu.dma_semaphore, #tpu.memory_space<semaphore_mem>>, %arg19: memref<!tpu.dma_semaphore, #tpu.memory_space<semaphore_mem>>, %arg20: memref<!tpu.dma_semaphore, #tpu.memory_space<semaphore_mem>>, %arg21: memref<!tpu.dma_semaphore, #tpu.memory_space<semaphore_mem>>, %arg22: memref<!tpu.dma_semaphore, #tpu.memory_space<semaphore_mem>>, %arg23: memref<!tpu.dma_semaphore, #tpu.memory_space<semaphore_mem>>, %arg24: memref<!tpu.dma_semaphore, #tpu.memory_space<semaphore_mem>>, %arg25: memref<!tpu.dma_semaphore, #tpu.memory_space<semaphore_mem>>, %arg26: memref<!tpu.dma_semaphore, #tpu.memory_space<semaphore_mem>>, %arg27: memref<!tpu.dma_semaphore, #tpu.memory_space<semaphore_mem>>, %arg28: memref<!tpu.dma_semaphore, #tpu.memory_space<semaphore_mem>>, %arg29: memref<!tpu.dma_semaphore, #tpu.memory_space<semaphore_mem>>, %arg30: memref<!tpu.dma_semaphore, #tpu.memory_space<semaphore_mem>>, %arg31: memref<!tpu.dma_semaphore, #tpu.memory_space<semaphore_mem>>, %arg32: memref<!tpu.dma_semaphore, #tpu.memory_space<semaphore_mem>>, %arg33: memref<!tpu.dma_semaphore, #tpu.memory_space<semaphore_mem>>, %arg34: memref<!tpu.dma_semaphore, #tpu.memory_space<semaphore_mem>>, %arg35: memref<!tpu.dma_semaphore, #tpu.memory_space<semaphore_mem>>, %arg36: memref<!tpu.dma_semaphore, #tpu.memory_space<semaphore_mem>>, %arg37: memref<!tpu.dma_semaphore, #tpu.memory_space<semaphore_mem>>, %arg38: memref<!tpu.dma_semaphore, #tpu.memory_space<semaphore_mem>>, %arg39: memref<!tpu.dma_semaphore, #tpu.memory_space<semaphore_mem>>, %arg40: memref<!tpu.dma_semaphore, #tpu.memory_space<semaphore_mem>>, %arg41: memref<!tpu.dma_semaphore, #tpu.memory_space<semaphore_mem>>, %arg42: memref<!tpu.dma_semaphore, #tpu.memory_space<semaphore_mem>>) attributes {dimension_semantics = [#tpu.dimension_semantics<core_parallel>, #tpu.dimension_semantics<subcore_parallel>], iteration_bounds = array<i64: 2, 16>, scalar_prefetch = 0 : i64, scratch_operands = 38 : i64, tpu.core_type = #tpu.core_type<sc_vector_subcore>, window_params = [{transform_indices = #map}, {transform_indices = #map1}, {transform_indices = #map}]} {
    %mul3A = arith.constant 2 : i32
    %mul3A_0 = arith.muli %arg1, %mul3A : i32
    %add3A = arith.addi %mul3A_0, %arg0 : i32
    %mul3A_1 = arith.constant 6400 : i32
    %mul3A_2 = arith.muli %add3A, %mul3A_1 : i32
    "tpu.region"() ({
      %run_scoped3A = tpu.sem_alloc : memref<!tpu.dma_semaphore, #tpu.memory_space<semaphore_mem>>
      %dma_start3A_110 = tpu.memref_slice %arg3[%mul3A_2] : memref<204800xi32, #tpu.memory_space<hbm>> -> memref<6400xi32, #tpu.memory_space<hbm>>
      %dma_start3A_111 = tpu.memref_slice %arg3[%mul3A_2] : memref<204800xi32, #tpu.memory_space<hbm>> -> memref<6400xi32, #tpu.memory_space<hbm>>
      tpu.enqueue_dma source(%dma_start3A_111 : memref<6400xi32, #tpu.memory_space<hbm>>) target(%arg5 : memref<6400xi32, #tpu.memory_space<vmem>>) target_semaphore(%run_scoped3A : memref<!tpu.dma_semaphore, #tpu.memory_space<semaphore_mem>>)
      %dma_wait3A_112 = tpu.memref_slice %arg3[%mul3A_2] : memref<204800xi32, #tpu.memory_space<hbm>> -> memref<6400xi32, #tpu.memory_space<hbm>>
      %dma_wait3A_113 = tpu.memref_slice %arg3[%mul3A_2] : memref<204800xi32, #tpu.memory_space<hbm>> -> memref<6400xi32, #tpu.memory_space<hbm>>
      tpu.wait_dma2 semaphore(%run_scoped3A : memref<!tpu.dma_semaphore, #tpu.memory_space<semaphore_mem>>) src(%dma_wait3A_113 : memref<6400xi32, #tpu.memory_space<hbm>>) dst(%arg5 : memref<6400xi32, #tpu.memory_space<vmem>>)
      tpu.yield
    }) : () -> ()
    %dma_start3A = arith.constant 40 : i32
    %dma_start3A_3 = tpu.memref_slice %arg5[%dma_start3A] : memref<6400xi32, #tpu.memory_space<vmem>> -> memref<40xi32, #tpu.memory_space<vmem>>
    %dma_start3A_4 = arith.constant 0 : i32
    %dma_start3A_5 = arith.constant 0 : i32
    %dma_start3A_6 = tpu.memref_slice %arg2[%dma_start3A_4, %dma_start3A_5] : memref<100000x128xf32, #tpu.memory_space<hbm>> -> memref<100000x128xf32, #tpu.memory_space<hbm>>
    tpu.enqueue_indirect_dma source(%dma_start3A_6 : memref<100000x128xf32, #tpu.memory_space<hbm>>) target(%arg7 : memref<40x128xf32, #tpu.memory_space<vmem>>) offsets(%dma_start3A_3 : memref<40xi32, #tpu.memory_space<vmem>>) semaphore(%arg17 : memref<!tpu.dma_semaphore, #tpu.memory_space<semaphore_mem>>)
    %dma_start3A_7 = arith.constant 80 : i32
    %dma_start3A_8 = tpu.memref_slice %arg5[%dma_start3A_7] : memref<6400xi32, #tpu.memory_space<vmem>> -> memref<40xi32, #tpu.memory_space<vmem>>
    %dma_start3A_9 = arith.constant 0 : i32
    %dma_start3A_10 = arith.constant 0 : i32
    %dma_start3A_11 = tpu.memref_slice %arg2[%dma_start3A_9, %dma_start3A_10] : memref<100000x128xf32, #tpu.memory_space<hbm>> -> memref<100000x128xf32, #tpu.memory_space<hbm>>
    tpu.enqueue_indirect_dma source(%dma_start3A_11 : memref<100000x128xf32, #tpu.memory_space<hbm>>) target(%arg8 : memref<40x128xf32, #tpu.memory_space<vmem>>) offsets(%dma_start3A_8 : memref<40xi32, #tpu.memory_space<vmem>>) semaphore(%arg18 : memref<!tpu.dma_semaphore, #tpu.memory_space<semaphore_mem>>)
    %dma_start3A_12 = arith.constant 120 : i32
    %dma_start3A_13 = tpu.memref_slice %arg5[%dma_start3A_12] : memref<6400xi32, #tpu.memory_space<vmem>> -> memref<40xi32, #tpu.memory_space<vmem>>
    %dma_start3A_14 = arith.constant 0 : i32
    %dma_start3A_15 = arith.constant 0 : i32
    %dma_start3A_16 = tpu.memref_slice %arg2[%dma_start3A_14, %dma_start3A_15] : memref<100000x128xf32, #tpu.memory_space<hbm>> -> memref<100000x128xf32, #tpu.memory_space<hbm>>
    tpu.enqueue_indirect_dma source(%dma_start3A_16 : memref<100000x128xf32, #tpu.memory_space<hbm>>) target(%arg9 : memref<40x128xf32, #tpu.memory_space<vmem>>) offsets(%dma_start3A_13 : memref<40xi32, #tpu.memory_space<vmem>>) semaphore(%arg19 : memref<!tpu.dma_semaphore, #tpu.memory_space<semaphore_mem>>)
    %dma_start3A_17 = arith.constant 200 : i32
    %dma_start3A_18 = tpu.memref_slice %arg5[%dma_start3A_17] : memref<6400xi32, #tpu.memory_space<vmem>> -> memref<40xi32, #tpu.memory_space<vmem>>
    %dma_start3A_19 = arith.constant 0 : i32
    %dma_start3A_20 = arith.constant 0 : i32
    %dma_start3A_21 = tpu.memref_slice %arg2[%dma_start3A_19, %dma_start3A_20] : memref<100000x128xf32, #tpu.memory_space<hbm>> -> memref<100000x128xf32, #tpu.memory_space<hbm>>
    tpu.enqueue_indirect_dma source(%dma_start3A_21 : memref<100000x128xf32, #tpu.memory_space<hbm>>) target(%arg10 : memref<40x128xf32, #tpu.memory_space<vmem>>) offsets(%dma_start3A_18 : memref<40xi32, #tpu.memory_space<vmem>>) semaphore(%arg20 : memref<!tpu.dma_semaphore, #tpu.memory_space<semaphore_mem>>)
    %dma_start3A_22 = arith.constant 240 : i32
    %dma_start3A_23 = tpu.memref_slice %arg5[%dma_start3A_22] : memref<6400xi32, #tpu.memory_space<vmem>> -> memref<40xi32, #tpu.memory_space<vmem>>
    %dma_start3A_24 = arith.constant 0 : i32
    %dma_start3A_25 = arith.constant 0 : i32
    %dma_start3A_26 = tpu.memref_slice %arg2[%dma_start3A_24, %dma_start3A_25] : memref<100000x128xf32, #tpu.memory_space<hbm>> -> memref<100000x128xf32, #tpu.memory_space<hbm>>
    tpu.enqueue_indirect_dma source(%dma_start3A_26 : memref<100000x128xf32, #tpu.memory_space<hbm>>) target(%arg11 : memref<40x128xf32, #tpu.memory_space<vmem>>) offsets(%dma_start3A_23 : memref<40xi32, #tpu.memory_space<vmem>>) semaphore(%arg21 : memref<!tpu.dma_semaphore, #tpu.memory_space<semaphore_mem>>)
    %dma_start3A_27 = arith.constant 280 : i32
    %dma_start3A_28 = tpu.memref_slice %arg5[%dma_start3A_27] : memref<6400xi32, #tpu.memory_space<vmem>> -> memref<40xi32, #tpu.memory_space<vmem>>
    %dma_start3A_29 = arith.constant 0 : i32
    %dma_start3A_30 = arith.constant 0 : i32
    %dma_start3A_31 = tpu.memref_slice %arg2[%dma_start3A_29, %dma_start3A_30] : memref<100000x128xf32, #tpu.memory_space<hbm>> -> memref<100000x128xf32, #tpu.memory_space<hbm>>
    tpu.enqueue_indirect_dma source(%dma_start3A_31 : memref<100000x128xf32, #tpu.memory_space<hbm>>) target(%arg12 : memref<40x128xf32, #tpu.memory_space<vmem>>) offsets(%dma_start3A_28 : memref<40xi32, #tpu.memory_space<vmem>>) semaphore(%arg22 : memref<!tpu.dma_semaphore, #tpu.memory_space<semaphore_mem>>)
    %dma_start3A_32 = arith.constant 0 : i32
    %dma_start3A_33 = tpu.memref_slice %arg5[%dma_start3A_32] : memref<6400xi32, #tpu.memory_space<vmem>> -> memref<40xi32, #tpu.memory_space<vmem>>
    %dma_start3A_34 = arith.constant 0 : i32
    %dma_start3A_35 = arith.constant 0 : i32
    %dma_start3A_36 = tpu.memref_slice %arg2[%dma_start3A_34, %dma_start3A_35] : memref<100000x128xf32, #tpu.memory_space<hbm>> -> memref<100000x128xf32, #tpu.memory_space<hbm>>
    tpu.enqueue_indirect_dma source(%dma_start3A_36 : memref<100000x128xf32, #tpu.memory_space<hbm>>) target(%arg13 : memref<40x128xf32, #tpu.memory_space<vmem>>) offsets(%dma_start3A_33 : memref<40xi32, #tpu.memory_space<vmem>>) semaphore(%arg23 : memref<!tpu.dma_semaphore, #tpu.memory_space<semaphore_mem>>)
    %dma_start3A_37 = arith.constant 160 : i32
    %dma_start3A_38 = tpu.memref_slice %arg5[%dma_start3A_37] : memref<6400xi32, #tpu.memory_space<vmem>> -> memref<40xi32, #tpu.memory_space<vmem>>
    %dma_start3A_39 = arith.constant 0 : i32
    %dma_start3A_40 = arith.constant 0 : i32
    %dma_start3A_41 = tpu.memref_slice %arg2[%dma_start3A_39, %dma_start3A_40] : memref<100000x128xf32, #tpu.memory_space<hbm>> -> memref<100000x128xf32, #tpu.memory_space<hbm>>
    tpu.enqueue_indirect_dma source(%dma_start3A_41 : memref<100000x128xf32, #tpu.memory_space<hbm>>) target(%arg14 : memref<40x128xf32, #tpu.memory_space<vmem>>) offsets(%dma_start3A_38 : memref<40xi32, #tpu.memory_space<vmem>>) semaphore(%arg24 : memref<!tpu.dma_semaphore, #tpu.memory_space<semaphore_mem>>)
    %dma_start3A_42 = arith.constant 320 : i32
    %dma_start3A_43 = tpu.memref_slice %arg5[%dma_start3A_42] : memref<6400xi32, #tpu.memory_space<vmem>> -> memref<40xi32, #tpu.memory_space<vmem>>
    %dma_start3A_44 = arith.constant 0 : i32
    %dma_start3A_45 = arith.constant 0 : i32
    %dma_start3A_46 = tpu.memref_slice %arg2[%dma_start3A_44, %dma_start3A_45] : memref<100000x128xf32, #tpu.memory_space<hbm>> -> memref<100000x128xf32, #tpu.memory_space<hbm>>
    tpu.enqueue_indirect_dma source(%dma_start3A_46 : memref<100000x128xf32, #tpu.memory_space<hbm>>) target(%arg15 : memref<40x128xf32, #tpu.memory_space<vmem>>) offsets(%dma_start3A_43 : memref<40xi32, #tpu.memory_space<vmem>>) semaphore(%arg25 : memref<!tpu.dma_semaphore, #tpu.memory_space<semaphore_mem>>)
    %dma_start3A_47 = arith.constant 480 : i32
    %dma_start3A_48 = tpu.memref_slice %arg5[%dma_start3A_47] : memref<6400xi32, #tpu.memory_space<vmem>> -> memref<40xi32, #tpu.memory_space<vmem>>
    %dma_start3A_49 = arith.constant 0 : i32
    %dma_start3A_50 = arith.constant 0 : i32
    %dma_start3A_51 = tpu.memref_slice %arg2[%dma_start3A_49, %dma_start3A_50] : memref<100000x128xf32, #tpu.memory_space<hbm>> -> memref<100000x128xf32, #tpu.memory_space<hbm>>
    tpu.enqueue_indirect_dma source(%dma_start3A_51 : memref<100000x128xf32, #tpu.memory_space<hbm>>) target(%arg16 : memref<40x128xf32, #tpu.memory_space<vmem>>) offsets(%dma_start3A_48 : memref<40xi32, #tpu.memory_space<vmem>>) semaphore(%arg26 : memref<!tpu.dma_semaphore, #tpu.memory_space<semaphore_mem>>)
    %scan3A = arith.constant 0 : i32
    %scan3A_52 = arith.constant 0 : i32
    %scan3A_53 = arith.constant 10 : i32
    %scan3A_54 = arith.addi %scan3A_52, %scan3A_53 : i32
    %scan3A_55 = arith.constant 1 : i32
    scf.for %scan3A_110 = %scan3A_52 to %scan3A_54 step %scan3A_55  : i32 {
      %mul3A_111 = arith.constant 16 : i32
      %mul3A_112 = arith.muli %scan3A_110, %mul3A_111 : i32
      %add3A_113 = arith.constant 1 : i32
      %add3A_114 = arith.addi %mul3A_112, %add3A_113 : i32
      %mul3A_115 = arith.constant 40 : i32
      %mul3A_116 = arith.muli %add3A_114, %mul3A_115 : i32
      %dma_wait3A_117 = tpu.memref_slice %arg5[%mul3A_116] : memref<6400xi32, #tpu.memory_space<vmem>> -> memref<40xi32, #tpu.memory_space<vmem>>
      %dma_wait3A_118 = arith.constant 0 : i32
      %dma_wait3A_119 = arith.constant 0 : i32
      %dma_wait3A_120 = tpu.memref_slice %arg2[%dma_wait3A_118, %dma_wait3A_119] : memref<100000x128xf32, #tpu.memory_space<hbm>> -> memref<100000x128xf32, #tpu.memory_space<hbm>>
      tpu.wait_indirect_dma semaphore(%arg17 : memref<!tpu.dma_semaphore, #tpu.memory_space<semaphore_mem>>) src(%dma_wait3A_120 : memref<100000x128xf32, #tpu.memory_space<hbm>>) dst(%arg7 : memref<40x128xf32, #tpu.memory_space<vmem>>)
      %gt3A = arith.constant 0 : i32
      %gt3A_121 = arith.cmpi sgt, %scan3A_110, %gt3A : i32
      %convert_element_type3A = arith.extui %gt3A_121 : i1 to i32
      %cond3A = arith.constant 0 : i32
      %cond3A_122 = arith.cmpi ne, %convert_element_type3A, %cond3A : i32
      scf.if %cond3A_122 {
        %mul3A_825 = arith.constant 40 : i32
        %mul3A_826 = arith.muli %add3A_114, %mul3A_825 : i32
        %add3A_827 = arith.addi %mul3A_2, %mul3A_826 : i32
        %dma_wait3A_828 = arith.constant 0 : i32
        %dma_wait3A_829 = arith.constant 0 : i32
        %dma_wait3A_830 = tpu.memref_slice %arg4[%add3A_827, %dma_wait3A_829] : memref<204800x128xf32, #tpu.memory_space<hbm>> -> memref<40x128xf32, #tpu.memory_space<hbm>>
        %dma_wait3A_831 = arith.constant 0 : i32
        %dma_wait3A_832 = arith.constant 0 : i32
        %dma_wait3A_833 = tpu.memref_slice %arg6[%arg1, %dma_wait3A_828, %dma_wait3A_831, %dma_wait3A_832] : memref<16x6x40x128xf32, #tpu.memory_space<vmem_shared>> -> memref<1x1x40x128xf32, #tpu.memory_space<vmem_shared>>
        %dma_wait3A_834 = tpu.memref_squeeze %dma_wait3A_833 : memref<1x1x40x128xf32, #tpu.memory_space<vmem_shared>> -> memref<40x128xf32, #tpu.memory_space<vmem_shared>>
        tpu.wait_dma2 semaphore(%arg33 : memref<!tpu.dma_semaphore, #tpu.memory_space<semaphore_mem>>) src(%dma_wait3A_834 : memref<40x128xf32, #tpu.memory_space<vmem_shared>>) dst(%dma_wait3A_830 : memref<40x128xf32, #tpu.memory_space<hbm>>)
      } else {
      }
      %dma_start3A_123 = arith.constant 0 : i32
      %dma_start3A_124 = arith.constant 0 : i32
      %dma_start3A_125 = arith.constant 0 : i32
      %dma_start3A_126 = tpu.memref_slice %arg6[%arg1, %dma_start3A_123, %dma_start3A_124, %dma_start3A_125] : memref<16x6x40x128xf32, #tpu.memory_space<vmem_shared>> -> memref<1x1x40x128xf32, #tpu.memory_space<vmem_shared>>
      %dma_start3A_127 = tpu.memref_squeeze %dma_start3A_126 : memref<1x1x40x128xf32, #tpu.memory_space<vmem_shared>> -> memref<40x128xf32, #tpu.memory_space<vmem_shared>>
      %dma_start3A_128 = arith.constant 0 : i32
      %dma_start3A_129 = arith.constant 0 : i32
      %dma_start3A_130 = tpu.memref_slice %arg6[%arg1, %dma_start3A_123, %dma_start3A_128, %dma_start3A_129] : memref<16x6x40x128xf32, #tpu.memory_space<vmem_shared>> -> memref<1x1x40x128xf32, #tpu.memory_space<vmem_shared>>
      %dma_start3A_131 = tpu.memref_squeeze %dma_start3A_130 : memref<1x1x40x128xf32, #tpu.memory_space<vmem_shared>> -> memref<40x128xf32, #tpu.memory_space<vmem_shared>>
      tpu.enqueue_dma source(%arg7 : memref<40x128xf32, #tpu.memory_space<vmem>>) target(%dma_start3A_131 : memref<40x128xf32, #tpu.memory_space<vmem_shared>>) target_semaphore(%arg27 : memref<!tpu.dma_semaphore, #tpu.memory_space<semaphore_mem>>)
      %dma_wait3A_132 = arith.constant 0 : i32
      %dma_wait3A_133 = arith.constant 0 : i32
      %dma_wait3A_134 = arith.constant 0 : i32
      %dma_wait3A_135 = tpu.memref_slice %arg6[%arg1, %dma_wait3A_132, %dma_wait3A_133, %dma_wait3A_134] : memref<16x6x40x128xf32, #tpu.memory_space<vmem_shared>> -> memref<1x1x40x128xf32, #tpu.memory_space<vmem_shared>>
      %dma_wait3A_136 = tpu.memref_squeeze %dma_wait3A_135 : memref<1x1x40x128xf32, #tpu.memory_space<vmem_shared>> -> memref<40x128xf32, #tpu.memory_space<vmem_shared>>
      %dma_wait3A_137 = arith.constant 0 : i32
      %dma_wait3A_138 = arith.constant 0 : i32
      %dma_wait3A_139 = tpu.memref_slice %arg6[%arg1, %dma_wait3A_132, %dma_wait3A_137, %dma_wait3A_138] : memref<16x6x40x128xf32, #tpu.memory_space<vmem_shared>> -> memref<1x1x40x128xf32, #tpu.memory_space<vmem_shared>>
      %dma_wait3A_140 = tpu.memref_squeeze %dma_wait3A_139 : memref<1x1x40x128xf32, #tpu.memory_space<vmem_shared>> -> memref<40x128xf32, #tpu.memory_space<vmem_shared>>
      tpu.wait_dma2 semaphore(%arg27 : memref<!tpu.dma_semaphore, #tpu.memory_space<semaphore_mem>>) src(%arg7 : memref<40x128xf32, #tpu.memory_space<vmem>>) dst(%dma_wait3A_140 : memref<40x128xf32, #tpu.memory_space<vmem_shared>>)
      %mul3A_141 = arith.constant 40 : i32
      %mul3A_142 = arith.muli %add3A_114, %mul3A_141 : i32
      %add3A_143 = arith.addi %mul3A_2, %mul3A_142 : i32
      %dma_start3A_144 = arith.constant 0 : i32
      %dma_start3A_145 = arith.constant 0 : i32
      %dma_start3A_146 = tpu.memref_slice %arg4[%add3A_143, %dma_start3A_145] : memref<204800x128xf32, #tpu.memory_space<hbm>> -> memref<40x128xf32, #tpu.memory_space<hbm>>
      %dma_start3A_147 = arith.constant 0 : i32
      %dma_start3A_148 = arith.constant 0 : i32
      %dma_start3A_149 = tpu.memref_slice %arg6[%arg1, %dma_start3A_144, %dma_start3A_147, %dma_start3A_148] : memref<16x6x40x128xf32, #tpu.memory_space<vmem_shared>> -> memref<1x1x40x128xf32, #tpu.memory_space<vmem_shared>>
      %dma_start3A_150 = tpu.memref_squeeze %dma_start3A_149 : memref<1x1x40x128xf32, #tpu.memory_space<vmem_shared>> -> memref<40x128xf32, #tpu.memory_space<vmem_shared>>
      tpu.enqueue_dma source(%dma_start3A_150 : memref<40x128xf32, #tpu.memory_space<vmem_shared>>) target(%dma_start3A_146 : memref<40x128xf32, #tpu.memory_space<hbm>>) target_semaphore(%arg33 : memref<!tpu.dma_semaphore, #tpu.memory_space<semaphore_mem>>)
      %add3A_151 = arith.constant 8 : i32
      %add3A_152 = arith.addi %add3A_114, %add3A_151 : i32
      %mul3A_153 = arith.constant 40 : i32
      %mul3A_154 = arith.muli %add3A_152, %mul3A_153 : i32
      %dma_start3A_155 = tpu.memref_slice %arg5[%mul3A_154] : memref<6400xi32, #tpu.memory_space<vmem>> -> memref<40xi32, #tpu.memory_space<vmem>>
      %dma_start3A_156 = arith.constant 0 : i32
      %dma_start3A_157 = arith.constant 0 : i32
      %dma_start3A_158 = tpu.memref_slice %arg2[%dma_start3A_156, %dma_start3A_157] : memref<100000x128xf32, #tpu.memory_space<hbm>> -> memref<100000x128xf32, #tpu.memory_space<hbm>>
      tpu.enqueue_indirect_dma source(%dma_start3A_158 : memref<100000x128xf32, #tpu.memory_space<hbm>>) target(%arg7 : memref<40x128xf32, #tpu.memory_space<vmem>>) offsets(%dma_start3A_155 : memref<40xi32, #tpu.memory_space<vmem>>) semaphore(%arg17 : memref<!tpu.dma_semaphore, #tpu.memory_space<semaphore_mem>>)
      %add3A_159 = arith.constant 2 : i32
      %add3A_160 = arith.addi %mul3A_112, %add3A_159 : i32
      %mul3A_161 = arith.constant 40 : i32
      %mul3A_162 = arith.muli %add3A_160, %mul3A_161 : i32
      %dma_wait3A_163 = tpu.memref_slice %arg5[%mul3A_162] : memref<6400xi32, #tpu.memory_space<vmem>> -> memref<40xi32, #tpu.memory_space<vmem>>
      %dma_wait3A_164 = arith.constant 0 : i32
      %dma_wait3A_165 = arith.constant 0 : i32
      %dma_wait3A_166 = tpu.memref_slice %arg2[%dma_wait3A_164, %dma_wait3A_165] : memref<100000x128xf32, #tpu.memory_space<hbm>> -> memref<100000x128xf32, #tpu.memory_space<hbm>>
      tpu.wait_indirect_dma semaphore(%arg18 : memref<!tpu.dma_semaphore, #tpu.memory_space<semaphore_mem>>) src(%dma_wait3A_166 : memref<100000x128xf32, #tpu.memory_space<hbm>>) dst(%arg8 : memref<40x128xf32, #tpu.memory_space<vmem>>)
      %gt3A_167 = arith.constant 0 : i32
      %gt3A_168 = arith.cmpi sgt, %scan3A_110, %gt3A_167 : i32
      %convert_element_type3A_169 = arith.extui %gt3A_168 : i1 to i32
      %cond3A_170 = arith.constant 0 : i32
      %cond3A_171 = arith.cmpi ne, %convert_element_type3A_169, %cond3A_170 : i32
      scf.if %cond3A_171 {
        %mul3A_825 = arith.constant 40 : i32
        %mul3A_826 = arith.muli %add3A_160, %mul3A_825 : i32
        %add3A_827 = arith.addi %mul3A_2, %mul3A_826 : i32
        %dma_wait3A_828 = arith.constant 1 : i32
        %dma_wait3A_829 = arith.constant 0 : i32
        %dma_wait3A_830 = tpu.memref_slice %arg4[%add3A_827, %dma_wait3A_829] : memref<204800x128xf32, #tpu.memory_space<hbm>> -> memref<40x128xf32, #tpu.memory_space<hbm>>
        %dma_wait3A_831 = arith.constant 0 : i32
        %dma_wait3A_832 = arith.constant 0 : i32
        %dma_wait3A_833 = tpu.memref_slice %arg6[%arg1, %dma_wait3A_828, %dma_wait3A_831, %dma_wait3A_832] : memref<16x6x40x128xf32, #tpu.memory_space<vmem_shared>> -> memref<1x1x40x128xf32, #tpu.memory_space<vmem_shared>>
        %dma_wait3A_834 = tpu.memref_squeeze %dma_wait3A_833 : memref<1x1x40x128xf32, #tpu.memory_space<vmem_shared>> -> memref<40x128xf32, #tpu.memory_space<vmem_shared>>
        tpu.wait_dma2 semaphore(%arg34 : memref<!tpu.dma_semaphore, #tpu.memory_space<semaphore_mem>>) src(%dma_wait3A_834 : memref<40x128xf32, #tpu.memory_space<vmem_shared>>) dst(%dma_wait3A_830 : memref<40x128xf32, #tpu.memory_space<hbm>>)
      } else {
      }
      %dma_start3A_172 = arith.constant 1 : i32
      %dma_start3A_173 = arith.constant 0 : i32
      %dma_start3A_174 = arith.constant 0 : i32
      %dma_start3A_175 = tpu.memref_slice %arg6[%arg1, %dma_start3A_172, %dma_start3A_173, %dma_start3A_174] : memref<16x6x40x128xf32, #tpu.memory_space<vmem_shared>> -> memref<1x1x40x128xf32, #tpu.memory_space<vmem_shared>>
      %dma_start3A_176 = tpu.memref_squeeze %dma_start3A_175 : memref<1x1x40x128xf32, #tpu.memory_space<vmem_shared>> -> memref<40x128xf32, #tpu.memory_space<vmem_shared>>
      %dma_start3A_177 = arith.constant 0 : i32
      %dma_start3A_178 = arith.constant 0 : i32
      %dma_start3A_179 = tpu.memref_slice %arg6[%arg1, %dma_start3A_172, %dma_start3A_177, %dma_start3A_178] : memref<16x6x40x128xf32, #tpu.memory_space<vmem_shared>> -> memref<1x1x40x128xf32, #tpu.memory_space<vmem_shared>>
      %dma_start3A_180 = tpu.memref_squeeze %dma_start3A_179 : memref<1x1x40x128xf32, #tpu.memory_space<vmem_shared>> -> memref<40x128xf32, #tpu.memory_space<vmem_shared>>
      tpu.enqueue_dma source(%arg8 : memref<40x128xf32, #tpu.memory_space<vmem>>) target(%dma_start3A_180 : memref<40x128xf32, #tpu.memory_space<vmem_shared>>) target_semaphore(%arg28 : memref<!tpu.dma_semaphore, #tpu.memory_space<semaphore_mem>>)
      %dma_wait3A_181 = arith.constant 1 : i32
      %dma_wait3A_182 = arith.constant 0 : i32
      %dma_wait3A_183 = arith.constant 0 : i32
      %dma_wait3A_184 = tpu.memref_slice %arg6[%arg1, %dma_wait3A_181, %dma_wait3A_182, %dma_wait3A_183] : memref<16x6x40x128xf32, #tpu.memory_space<vmem_shared>> -> memref<1x1x40x128xf32, #tpu.memory_space<vmem_shared>>
      %dma_wait3A_185 = tpu.memref_squeeze %dma_wait3A_184 : memref<1x1x40x128xf32, #tpu.memory_space<vmem_shared>> -> memref<40x128xf32, #tpu.memory_space<vmem_shared>>
      %dma_wait3A_186 = arith.constant 0 : i32
      %dma_wait3A_187 = arith.constant 0 : i32
      %dma_wait3A_188 = tpu.memref_slice %arg6[%arg1, %dma_wait3A_181, %dma_wait3A_186, %dma_wait3A_187] : memref<16x6x40x128xf32, #tpu.memory_space<vmem_shared>> -> memref<1x1x40x128xf32, #tpu.memory_space<vmem_shared>>
      %dma_wait3A_189 = tpu.memref_squeeze %dma_wait3A_188 : memref<1x1x40x128xf32, #tpu.memory_space<vmem_shared>> -> memref<40x128xf32, #tpu.memory_space<vmem_shared>>
      tpu.wait_dma2 semaphore(%arg28 : memref<!tpu.dma_semaphore, #tpu.memory_space<semaphore_mem>>) src(%arg8 : memref<40x128xf32, #tpu.memory_space<vmem>>) dst(%dma_wait3A_189 : memref<40x128xf32, #tpu.memory_space<vmem_shared>>)
      %mul3A_190 = arith.constant 40 : i32
      %mul3A_191 = arith.muli %add3A_160, %mul3A_190 : i32
      %add3A_192 = arith.addi %mul3A_2, %mul3A_191 : i32
      %dma_start3A_193 = arith.constant 1 : i32
      %dma_start3A_194 = arith.constant 0 : i32
      %dma_start3A_195 = tpu.memref_slice %arg4[%add3A_192, %dma_start3A_194] : memref<204800x128xf32, #tpu.memory_space<hbm>> -> memref<40x128xf32, #tpu.memory_space<hbm>>
      %dma_start3A_196 = arith.constant 0 : i32
      %dma_start3A_197 = arith.constant 0 : i32
      %dma_start3A_198 = tpu.memref_slice %arg6[%arg1, %dma_start3A_193, %dma_start3A_196, %dma_start3A_197] : memref<16x6x40x128xf32, #tpu.memory_space<vmem_shared>> -> memref<1x1x40x128xf32, #tpu.memory_space<vmem_shared>>
      %dma_start3A_199 = tpu.memref_squeeze %dma_start3A_198 : memref<1x1x40x128xf32, #tpu.memory_space<vmem_shared>> -> memref<40x128xf32, #tpu.memory_space<vmem_shared>>
      tpu.enqueue_dma source(%dma_start3A_199 : memref<40x128xf32, #tpu.memory_space<vmem_shared>>) target(%dma_start3A_195 : memref<40x128xf32, #tpu.memory_space<hbm>>) target_semaphore(%arg34 : memref<!tpu.dma_semaphore, #tpu.memory_space<semaphore_mem>>)
      %add3A_200 = arith.constant 8 : i32
      %add3A_201 = arith.addi %add3A_160, %add3A_200 : i32
      %mul3A_202 = arith.constant 40 : i32
      %mul3A_203 = arith.muli %add3A_201, %mul3A_202 : i32
      %dma_start3A_204 = tpu.memref_slice %arg5[%mul3A_203] : memref<6400xi32, #tpu.memory_space<vmem>> -> memref<40xi32, #tpu.memory_space<vmem>>
      %dma_start3A_205 = arith.constant 0 : i32
      %dma_start3A_206 = arith.constant 0 : i32
      %dma_start3A_207 = tpu.memref_slice %arg2[%dma_start3A_205, %dma_start3A_206] : memref<100000x128xf32, #tpu.memory_space<hbm>> -> memref<100000x128xf32, #tpu.memory_space<hbm>>
      tpu.enqueue_indirect_dma source(%dma_start3A_207 : memref<100000x128xf32, #tpu.memory_space<hbm>>) target(%arg8 : memref<40x128xf32, #tpu.memory_space<vmem>>) offsets(%dma_start3A_204 : memref<40xi32, #tpu.memory_space<vmem>>) semaphore(%arg18 : memref<!tpu.dma_semaphore, #tpu.memory_space<semaphore_mem>>)
      %add3A_208 = arith.constant 3 : i32
      %add3A_209 = arith.addi %mul3A_112, %add3A_208 : i32
      %mul3A_210 = arith.constant 40 : i32
      %mul3A_211 = arith.muli %add3A_209, %mul3A_210 : i32
      %dma_wait3A_212 = tpu.memref_slice %arg5[%mul3A_211] : memref<6400xi32, #tpu.memory_space<vmem>> -> memref<40xi32, #tpu.memory_space<vmem>>
      %dma_wait3A_213 = arith.constant 0 : i32
      %dma_wait3A_214 = arith.constant 0 : i32
      %dma_wait3A_215 = tpu.memref_slice %arg2[%dma_wait3A_213, %dma_wait3A_214] : memref<100000x128xf32, #tpu.memory_space<hbm>> -> memref<100000x128xf32, #tpu.memory_space<hbm>>
      tpu.wait_indirect_dma semaphore(%arg19 : memref<!tpu.dma_semaphore, #tpu.memory_space<semaphore_mem>>) src(%dma_wait3A_215 : memref<100000x128xf32, #tpu.memory_space<hbm>>) dst(%arg9 : memref<40x128xf32, #tpu.memory_space<vmem>>)
      %gt3A_216 = arith.constant 0 : i32
      %gt3A_217 = arith.cmpi sgt, %scan3A_110, %gt3A_216 : i32
      %convert_element_type3A_218 = arith.extui %gt3A_217 : i1 to i32
      %cond3A_219 = arith.constant 0 : i32
      %cond3A_220 = arith.cmpi ne, %convert_element_type3A_218, %cond3A_219 : i32
      scf.if %cond3A_220 {
        %mul3A_825 = arith.constant 40 : i32
        %mul3A_826 = arith.muli %add3A_209, %mul3A_825 : i32
        %add3A_827 = arith.addi %mul3A_2, %mul3A_826 : i32
        %dma_wait3A_828 = arith.constant 2 : i32
        %dma_wait3A_829 = arith.constant 0 : i32
        %dma_wait3A_830 = tpu.memref_slice %arg4[%add3A_827, %dma_wait3A_829] : memref<204800x128xf32, #tpu.memory_space<hbm>> -> memref<40x128xf32, #tpu.memory_space<hbm>>
        %dma_wait3A_831 = arith.constant 0 : i32
        %dma_wait3A_832 = arith.constant 0 : i32
        %dma_wait3A_833 = tpu.memref_slice %arg6[%arg1, %dma_wait3A_828, %dma_wait3A_831, %dma_wait3A_832] : memref<16x6x40x128xf32, #tpu.memory_space<vmem_shared>> -> memref<1x1x40x128xf32, #tpu.memory_space<vmem_shared>>
        %dma_wait3A_834 = tpu.memref_squeeze %dma_wait3A_833 : memref<1x1x40x128xf32, #tpu.memory_space<vmem_shared>> -> memref<40x128xf32, #tpu.memory_space<vmem_shared>>
        tpu.wait_dma2 semaphore(%arg35 : memref<!tpu.dma_semaphore, #tpu.memory_space<semaphore_mem>>) src(%dma_wait3A_834 : memref<40x128xf32, #tpu.memory_space<vmem_shared>>) dst(%dma_wait3A_830 : memref<40x128xf32, #tpu.memory_space<hbm>>)
      } else {
      }
      %dma_start3A_221 = arith.constant 2 : i32
      %dma_start3A_222 = arith.constant 0 : i32
      %dma_start3A_223 = arith.constant 0 : i32
      %dma_start3A_224 = tpu.memref_slice %arg6[%arg1, %dma_start3A_221, %dma_start3A_222, %dma_start3A_223] : memref<16x6x40x128xf32, #tpu.memory_space<vmem_shared>> -> memref<1x1x40x128xf32, #tpu.memory_space<vmem_shared>>
      %dma_start3A_225 = tpu.memref_squeeze %dma_start3A_224 : memref<1x1x40x128xf32, #tpu.memory_space<vmem_shared>> -> memref<40x128xf32, #tpu.memory_space<vmem_shared>>
      %dma_start3A_226 = arith.constant 0 : i32
      %dma_start3A_227 = arith.constant 0 : i32
      %dma_start3A_228 = tpu.memref_slice %arg6[%arg1, %dma_start3A_221, %dma_start3A_226, %dma_start3A_227] : memref<16x6x40x128xf32, #tpu.memory_space<vmem_shared>> -> memref<1x1x40x128xf32, #tpu.memory_space<vmem_shared>>
      %dma_start3A_229 = tpu.memref_squeeze %dma_start3A_228 : memref<1x1x40x128xf32, #tpu.memory_space<vmem_shared>> -> memref<40x128xf32, #tpu.memory_space<vmem_shared>>
      tpu.enqueue_dma source(%arg9 : memref<40x128xf32, #tpu.memory_space<vmem>>) target(%dma_start3A_229 : memref<40x128xf32, #tpu.memory_space<vmem_shared>>) target_semaphore(%arg29 : memref<!tpu.dma_semaphore, #tpu.memory_space<semaphore_mem>>)
      %dma_wait3A_230 = arith.constant 2 : i32
      %dma_wait3A_231 = arith.constant 0 : i32
      %dma_wait3A_232 = arith.constant 0 : i32
      %dma_wait3A_233 = tpu.memref_slice %arg6[%arg1, %dma_wait3A_230, %dma_wait3A_231, %dma_wait3A_232] : memref<16x6x40x128xf32, #tpu.memory_space<vmem_shared>> -> memref<1x1x40x128xf32, #tpu.memory_space<vmem_shared>>
      %dma_wait3A_234 = tpu.memref_squeeze %dma_wait3A_233 : memref<1x1x40x128xf32, #tpu.memory_space<vmem_shared>> -> memref<40x128xf32, #tpu.memory_space<vmem_shared>>
      %dma_wait3A_235 = arith.constant 0 : i32
      %dma_wait3A_236 = arith.constant 0 : i32
      %dma_wait3A_237 = tpu.memref_slice %arg6[%arg1, %dma_wait3A_230, %dma_wait3A_235, %dma_wait3A_236] : memref<16x6x40x128xf32, #tpu.memory_space<vmem_shared>> -> memref<1x1x40x128xf32, #tpu.memory_space<vmem_shared>>
      %dma_wait3A_238 = tpu.memref_squeeze %dma_wait3A_237 : memref<1x1x40x128xf32, #tpu.memory_space<vmem_shared>> -> memref<40x128xf32, #tpu.memory_space<vmem_shared>>
      tpu.wait_dma2 semaphore(%arg29 : memref<!tpu.dma_semaphore, #tpu.memory_space<semaphore_mem>>) src(%arg9 : memref<40x128xf32, #tpu.memory_space<vmem>>) dst(%dma_wait3A_238 : memref<40x128xf32, #tpu.memory_space<vmem_shared>>)
      %mul3A_239 = arith.constant 40 : i32
      %mul3A_240 = arith.muli %add3A_209, %mul3A_239 : i32
      %add3A_241 = arith.addi %mul3A_2, %mul3A_240 : i32
      %dma_start3A_242 = arith.constant 2 : i32
      %dma_start3A_243 = arith.constant 0 : i32
      %dma_start3A_244 = tpu.memref_slice %arg4[%add3A_241, %dma_start3A_243] : memref<204800x128xf32, #tpu.memory_space<hbm>> -> memref<40x128xf32, #tpu.memory_space<hbm>>
      %dma_start3A_245 = arith.constant 0 : i32
      %dma_start3A_246 = arith.constant 0 : i32
      %dma_start3A_247 = tpu.memref_slice %arg6[%arg1, %dma_start3A_242, %dma_start3A_245, %dma_start3A_246] : memref<16x6x40x128xf32, #tpu.memory_space<vmem_shared>> -> memref<1x1x40x128xf32, #tpu.memory_space<vmem_shared>>
      %dma_start3A_248 = tpu.memref_squeeze %dma_start3A_247 : memref<1x1x40x128xf32, #tpu.memory_space<vmem_shared>> -> memref<40x128xf32, #tpu.memory_space<vmem_shared>>
      tpu.enqueue_dma source(%dma_start3A_248 : memref<40x128xf32, #tpu.memory_space<vmem_shared>>) target(%dma_start3A_244 : memref<40x128xf32, #tpu.memory_space<hbm>>) target_semaphore(%arg35 : memref<!tpu.dma_semaphore, #tpu.memory_space<semaphore_mem>>)
      %add3A_249 = arith.constant 8 : i32
      %add3A_250 = arith.addi %add3A_209, %add3A_249 : i32
      %mul3A_251 = arith.constant 40 : i32
      %mul3A_252 = arith.muli %add3A_250, %mul3A_251 : i32
      %dma_start3A_253 = tpu.memref_slice %arg5[%mul3A_252] : memref<6400xi32, #tpu.memory_space<vmem>> -> memref<40xi32, #tpu.memory_space<vmem>>
      %dma_start3A_254 = arith.constant 0 : i32
      %dma_start3A_255 = arith.constant 0 : i32
      %dma_start3A_256 = tpu.memref_slice %arg2[%dma_start3A_254, %dma_start3A_255] : memref<100000x128xf32, #tpu.memory_space<hbm>> -> memref<100000x128xf32, #tpu.memory_space<hbm>>
      tpu.enqueue_indirect_dma source(%dma_start3A_256 : memref<100000x128xf32, #tpu.memory_space<hbm>>) target(%arg9 : memref<40x128xf32, #tpu.memory_space<vmem>>) offsets(%dma_start3A_253 : memref<40xi32, #tpu.memory_space<vmem>>) semaphore(%arg19 : memref<!tpu.dma_semaphore, #tpu.memory_space<semaphore_mem>>)
      %add3A_257 = arith.constant 5 : i32
      %add3A_258 = arith.addi %mul3A_112, %add3A_257 : i32
      %mul3A_259 = arith.constant 40 : i32
      %mul3A_260 = arith.muli %add3A_258, %mul3A_259 : i32
      %dma_wait3A_261 = tpu.memref_slice %arg5[%mul3A_260] : memref<6400xi32, #tpu.memory_space<vmem>> -> memref<40xi32, #tpu.memory_space<vmem>>
      %dma_wait3A_262 = arith.constant 0 : i32
      %dma_wait3A_263 = arith.constant 0 : i32
      %dma_wait3A_264 = tpu.memref_slice %arg2[%dma_wait3A_262, %dma_wait3A_263] : memref<100000x128xf32, #tpu.memory_space<hbm>> -> memref<100000x128xf32, #tpu.memory_space<hbm>>
      tpu.wait_indirect_dma semaphore(%arg20 : memref<!tpu.dma_semaphore, #tpu.memory_space<semaphore_mem>>) src(%dma_wait3A_264 : memref<100000x128xf32, #tpu.memory_space<hbm>>) dst(%arg10 : memref<40x128xf32, #tpu.memory_space<vmem>>)
      %gt3A_265 = arith.constant 0 : i32
      %gt3A_266 = arith.cmpi sgt, %scan3A_110, %gt3A_265 : i32
      %convert_element_type3A_267 = arith.extui %gt3A_266 : i1 to i32
      %cond3A_268 = arith.constant 0 : i32
      %cond3A_269 = arith.cmpi ne, %convert_element_type3A_267, %cond3A_268 : i32
      scf.if %cond3A_269 {
        %mul3A_825 = arith.constant 40 : i32
        %mul3A_826 = arith.muli %add3A_258, %mul3A_825 : i32
        %add3A_827 = arith.addi %mul3A_2, %mul3A_826 : i32
        %dma_wait3A_828 = arith.constant 3 : i32
        %dma_wait3A_829 = arith.constant 0 : i32
        %dma_wait3A_830 = tpu.memref_slice %arg4[%add3A_827, %dma_wait3A_829] : memref<204800x128xf32, #tpu.memory_space<hbm>> -> memref<40x128xf32, #tpu.memory_space<hbm>>
        %dma_wait3A_831 = arith.constant 0 : i32
        %dma_wait3A_832 = arith.constant 0 : i32
        %dma_wait3A_833 = tpu.memref_slice %arg6[%arg1, %dma_wait3A_828, %dma_wait3A_831, %dma_wait3A_832] : memref<16x6x40x128xf32, #tpu.memory_space<vmem_shared>> -> memref<1x1x40x128xf32, #tpu.memory_space<vmem_shared>>
        %dma_wait3A_834 = tpu.memref_squeeze %dma_wait3A_833 : memref<1x1x40x128xf32, #tpu.memory_space<vmem_shared>> -> memref<40x128xf32, #tpu.memory_space<vmem_shared>>
        tpu.wait_dma2 semaphore(%arg36 : memref<!tpu.dma_semaphore, #tpu.memory_space<semaphore_mem>>) src(%dma_wait3A_834 : memref<40x128xf32, #tpu.memory_space<vmem_shared>>) dst(%dma_wait3A_830 : memref<40x128xf32, #tpu.memory_space<hbm>>)
      } else {
      }
      %dma_start3A_270 = arith.constant 3 : i32
      %dma_start3A_271 = arith.constant 0 : i32
      %dma_start3A_272 = arith.constant 0 : i32
      %dma_start3A_273 = tpu.memref_slice %arg6[%arg1, %dma_start3A_270, %dma_start3A_271, %dma_start3A_272] : memref<16x6x40x128xf32, #tpu.memory_space<vmem_shared>> -> memref<1x1x40x128xf32, #tpu.memory_space<vmem_shared>>
      %dma_start3A_274 = tpu.memref_squeeze %dma_start3A_273 : memref<1x1x40x128xf32, #tpu.memory_space<vmem_shared>> -> memref<40x128xf32, #tpu.memory_space<vmem_shared>>
      %dma_start3A_275 = arith.constant 0 : i32
      %dma_start3A_276 = arith.constant 0 : i32
      %dma_start3A_277 = tpu.memref_slice %arg6[%arg1, %dma_start3A_270, %dma_start3A_275, %dma_start3A_276] : memref<16x6x40x128xf32, #tpu.memory_space<vmem_shared>> -> memref<1x1x40x128xf32, #tpu.memory_space<vmem_shared>>
      %dma_start3A_278 = tpu.memref_squeeze %dma_start3A_277 : memref<1x1x40x128xf32, #tpu.memory_space<vmem_shared>> -> memref<40x128xf32, #tpu.memory_space<vmem_shared>>
      tpu.enqueue_dma source(%arg10 : memref<40x128xf32, #tpu.memory_space<vmem>>) target(%dma_start3A_278 : memref<40x128xf32, #tpu.memory_space<vmem_shared>>) target_semaphore(%arg30 : memref<!tpu.dma_semaphore, #tpu.memory_space<semaphore_mem>>)
      %dma_wait3A_279 = arith.constant 3 : i32
      %dma_wait3A_280 = arith.constant 0 : i32
      %dma_wait3A_281 = arith.constant 0 : i32
      %dma_wait3A_282 = tpu.memref_slice %arg6[%arg1, %dma_wait3A_279, %dma_wait3A_280, %dma_wait3A_281] : memref<16x6x40x128xf32, #tpu.memory_space<vmem_shared>> -> memref<1x1x40x128xf32, #tpu.memory_space<vmem_shared>>
      %dma_wait3A_283 = tpu.memref_squeeze %dma_wait3A_282 : memref<1x1x40x128xf32, #tpu.memory_space<vmem_shared>> -> memref<40x128xf32, #tpu.memory_space<vmem_shared>>
      %dma_wait3A_284 = arith.constant 0 : i32
      %dma_wait3A_285 = arith.constant 0 : i32
      %dma_wait3A_286 = tpu.memref_slice %arg6[%arg1, %dma_wait3A_279, %dma_wait3A_284, %dma_wait3A_285] : memref<16x6x40x128xf32, #tpu.memory_space<vmem_shared>> -> memref<1x1x40x128xf32, #tpu.memory_space<vmem_shared>>
      %dma_wait3A_287 = tpu.memref_squeeze %dma_wait3A_286 : memref<1x1x40x128xf32, #tpu.memory_space<vmem_shared>> -> memref<40x128xf32, #tpu.memory_space<vmem_shared>>
      tpu.wait_dma2 semaphore(%arg30 : memref<!tpu.dma_semaphore, #tpu.memory_space<semaphore_mem>>) src(%arg10 : memref<40x128xf32, #tpu.memory_space<vmem>>) dst(%dma_wait3A_287 : memref<40x128xf32, #tpu.memory_space<vmem_shared>>)
      %mul3A_288 = arith.constant 40 : i32
      %mul3A_289 = arith.muli %add3A_258, %mul3A_288 : i32
      %add3A_290 = arith.addi %mul3A_2, %mul3A_289 : i32
      %dma_start3A_291 = arith.constant 3 : i32
      %dma_start3A_292 = arith.constant 0 : i32
      %dma_start3A_293 = tpu.memref_slice %arg4[%add3A_290, %dma_start3A_292] : memref<204800x128xf32, #tpu.memory_space<hbm>> -> memref<40x128xf32, #tpu.memory_space<hbm>>
      %dma_start3A_294 = arith.constant 0 : i32
      %dma_start3A_295 = arith.constant 0 : i32
      %dma_start3A_296 = tpu.memref_slice %arg6[%arg1, %dma_start3A_291, %dma_start3A_294, %dma_start3A_295] : memref<16x6x40x128xf32, #tpu.memory_space<vmem_shared>> -> memref<1x1x40x128xf32, #tpu.memory_space<vmem_shared>>
      %dma_start3A_297 = tpu.memref_squeeze %dma_start3A_296 : memref<1x1x40x128xf32, #tpu.memory_space<vmem_shared>> -> memref<40x128xf32, #tpu.memory_space<vmem_shared>>
      tpu.enqueue_dma source(%dma_start3A_297 : memref<40x128xf32, #tpu.memory_space<vmem_shared>>) target(%dma_start3A_293 : memref<40x128xf32, #tpu.memory_space<hbm>>) target_semaphore(%arg36 : memref<!tpu.dma_semaphore, #tpu.memory_space<semaphore_mem>>)
      %add3A_298 = arith.constant 8 : i32
      %add3A_299 = arith.addi %add3A_258, %add3A_298 : i32
      %mul3A_300 = arith.constant 40 : i32
      %mul3A_301 = arith.muli %add3A_299, %mul3A_300 : i32
      %dma_start3A_302 = tpu.memref_slice %arg5[%mul3A_301] : memref<6400xi32, #tpu.memory_space<vmem>> -> memref<40xi32, #tpu.memory_space<vmem>>
      %dma_start3A_303 = arith.constant 0 : i32
      %dma_start3A_304 = arith.constant 0 : i32
      %dma_start3A_305 = tpu.memref_slice %arg2[%dma_start3A_303, %dma_start3A_304] : memref<100000x128xf32, #tpu.memory_space<hbm>> -> memref<100000x128xf32, #tpu.memory_space<hbm>>
      tpu.enqueue_indirect_dma source(%dma_start3A_305 : memref<100000x128xf32, #tpu.memory_space<hbm>>) target(%arg10 : memref<40x128xf32, #tpu.memory_space<vmem>>) offsets(%dma_start3A_302 : memref<40xi32, #tpu.memory_space<vmem>>) semaphore(%arg20 : memref<!tpu.dma_semaphore, #tpu.memory_space<semaphore_mem>>)
      %add3A_306 = arith.constant 6 : i32
      %add3A_307 = arith.addi %mul3A_112, %add3A_306 : i32
      %mul3A_308 = arith.constant 40 : i32
      %mul3A_309 = arith.muli %add3A_307, %mul3A_308 : i32
      %dma_wait3A_310 = tpu.memref_slice %arg5[%mul3A_309] : memref<6400xi32, #tpu.memory_space<vmem>> -> memref<40xi32, #tpu.memory_space<vmem>>
      %dma_wait3A_311 = arith.constant 0 : i32
      %dma_wait3A_312 = arith.constant 0 : i32
      %dma_wait3A_313 = tpu.memref_slice %arg2[%dma_wait3A_311, %dma_wait3A_312] : memref<100000x128xf32, #tpu.memory_space<hbm>> -> memref<100000x128xf32, #tpu.memory_space<hbm>>
      tpu.wait_indirect_dma semaphore(%arg21 : memref<!tpu.dma_semaphore, #tpu.memory_space<semaphore_mem>>) src(%dma_wait3A_313 : memref<100000x128xf32, #tpu.memory_space<hbm>>) dst(%arg11 : memref<40x128xf32, #tpu.memory_space<vmem>>)
      %gt3A_314 = arith.constant 0 : i32
      %gt3A_315 = arith.cmpi sgt, %scan3A_110, %gt3A_314 : i32
      %convert_element_type3A_316 = arith.extui %gt3A_315 : i1 to i32
      %cond3A_317 = arith.constant 0 : i32
      %cond3A_318 = arith.cmpi ne, %convert_element_type3A_316, %cond3A_317 : i32
      scf.if %cond3A_318 {
        %mul3A_825 = arith.constant 40 : i32
        %mul3A_826 = arith.muli %add3A_307, %mul3A_825 : i32
        %add3A_827 = arith.addi %mul3A_2, %mul3A_826 : i32
        %dma_wait3A_828 = arith.constant 4 : i32
        %dma_wait3A_829 = arith.constant 0 : i32
        %dma_wait3A_830 = tpu.memref_slice %arg4[%add3A_827, %dma_wait3A_829] : memref<204800x128xf32, #tpu.memory_space<hbm>> -> memref<40x128xf32, #tpu.memory_space<hbm>>
        %dma_wait3A_831 = arith.constant 0 : i32
        %dma_wait3A_832 = arith.constant 0 : i32
        %dma_wait3A_833 = tpu.memref_slice %arg6[%arg1, %dma_wait3A_828, %dma_wait3A_831, %dma_wait3A_832] : memref<16x6x40x128xf32, #tpu.memory_space<vmem_shared>> -> memref<1x1x40x128xf32, #tpu.memory_space<vmem_shared>>
        %dma_wait3A_834 = tpu.memref_squeeze %dma_wait3A_833 : memref<1x1x40x128xf32, #tpu.memory_space<vmem_shared>> -> memref<40x128xf32, #tpu.memory_space<vmem_shared>>
        tpu.wait_dma2 semaphore(%arg37 : memref<!tpu.dma_semaphore, #tpu.memory_space<semaphore_mem>>) src(%dma_wait3A_834 : memref<40x128xf32, #tpu.memory_space<vmem_shared>>) dst(%dma_wait3A_830 : memref<40x128xf32, #tpu.memory_space<hbm>>)
      } else {
      }
      %dma_start3A_319 = arith.constant 4 : i32
      %dma_start3A_320 = arith.constant 0 : i32
      %dma_start3A_321 = arith.constant 0 : i32
      %dma_start3A_322 = tpu.memref_slice %arg6[%arg1, %dma_start3A_319, %dma_start3A_320, %dma_start3A_321] : memref<16x6x40x128xf32, #tpu.memory_space<vmem_shared>> -> memref<1x1x40x128xf32, #tpu.memory_space<vmem_shared>>
      %dma_start3A_323 = tpu.memref_squeeze %dma_start3A_322 : memref<1x1x40x128xf32, #tpu.memory_space<vmem_shared>> -> memref<40x128xf32, #tpu.memory_space<vmem_shared>>
      %dma_start3A_324 = arith.constant 0 : i32
      %dma_start3A_325 = arith.constant 0 : i32
      %dma_start3A_326 = tpu.memref_slice %arg6[%arg1, %dma_start3A_319, %dma_start3A_324, %dma_start3A_325] : memref<16x6x40x128xf32, #tpu.memory_space<vmem_shared>> -> memref<1x1x40x128xf32, #tpu.memory_space<vmem_shared>>
      %dma_start3A_327 = tpu.memref_squeeze %dma_start3A_326 : memref<1x1x40x128xf32, #tpu.memory_space<vmem_shared>> -> memref<40x128xf32, #tpu.memory_space<vmem_shared>>
      tpu.enqueue_dma source(%arg11 : memref<40x128xf32, #tpu.memory_space<vmem>>) target(%dma_start3A_327 : memref<40x128xf32, #tpu.memory_space<vmem_shared>>) target_semaphore(%arg31 : memref<!tpu.dma_semaphore, #tpu.memory_space<semaphore_mem>>)
      %dma_wait3A_328 = arith.constant 4 : i32
      %dma_wait3A_329 = arith.constant 0 : i32
      %dma_wait3A_330 = arith.constant 0 : i32
      %dma_wait3A_331 = tpu.memref_slice %arg6[%arg1, %dma_wait3A_328, %dma_wait3A_329, %dma_wait3A_330] : memref<16x6x40x128xf32, #tpu.memory_space<vmem_shared>> -> memref<1x1x40x128xf32, #tpu.memory_space<vmem_shared>>
      %dma_wait3A_332 = tpu.memref_squeeze %dma_wait3A_331 : memref<1x1x40x128xf32, #tpu.memory_space<vmem_shared>> -> memref<40x128xf32, #tpu.memory_space<vmem_shared>>
      %dma_wait3A_333 = arith.constant 0 : i32
      %dma_wait3A_334 = arith.constant 0 : i32
      %dma_wait3A_335 = tpu.memref_slice %arg6[%arg1, %dma_wait3A_328, %dma_wait3A_333, %dma_wait3A_334] : memref<16x6x40x128xf32, #tpu.memory_space<vmem_shared>> -> memref<1x1x40x128xf32, #tpu.memory_space<vmem_shared>>
      %dma_wait3A_336 = tpu.memref_squeeze %dma_wait3A_335 : memref<1x1x40x128xf32, #tpu.memory_space<vmem_shared>> -> memref<40x128xf32, #tpu.memory_space<vmem_shared>>
      tpu.wait_dma2 semaphore(%arg31 : memref<!tpu.dma_semaphore, #tpu.memory_space<semaphore_mem>>) src(%arg11 : memref<40x128xf32, #tpu.memory_space<vmem>>) dst(%dma_wait3A_336 : memref<40x128xf32, #tpu.memory_space<vmem_shared>>)
      %mul3A_337 = arith.constant 40 : i32
      %mul3A_338 = arith.muli %add3A_307, %mul3A_337 : i32
      %add3A_339 = arith.addi %mul3A_2, %mul3A_338 : i32
      %dma_start3A_340 = arith.constant 4 : i32
      %dma_start3A_341 = arith.constant 0 : i32
      %dma_start3A_342 = tpu.memref_slice %arg4[%add3A_339, %dma_start3A_341] : memref<204800x128xf32, #tpu.memory_space<hbm>> -> memref<40x128xf32, #tpu.memory_space<hbm>>
      %dma_start3A_343 = arith.constant 0 : i32
      %dma_start3A_344 = arith.constant 0 : i32
      %dma_start3A_345 = tpu.memref_slice %arg6[%arg1, %dma_start3A_340, %dma_start3A_343, %dma_start3A_344] : memref<16x6x40x128xf32, #tpu.memory_space<vmem_shared>> -> memref<1x1x40x128xf32, #tpu.memory_space<vmem_shared>>
      %dma_start3A_346 = tpu.memref_squeeze %dma_start3A_345 : memref<1x1x40x128xf32, #tpu.memory_space<vmem_shared>> -> memref<40x128xf32, #tpu.memory_space<vmem_shared>>
      tpu.enqueue_dma source(%dma_start3A_346 : memref<40x128xf32, #tpu.memory_space<vmem_shared>>) target(%dma_start3A_342 : memref<40x128xf32, #tpu.memory_space<hbm>>) target_semaphore(%arg37 : memref<!tpu.dma_semaphore, #tpu.memory_space<semaphore_mem>>)
      %add3A_347 = arith.constant 8 : i32
      %add3A_348 = arith.addi %add3A_307, %add3A_347 : i32
      %mul3A_349 = arith.constant 40 : i32
      %mul3A_350 = arith.muli %add3A_348, %mul3A_349 : i32
      %dma_start3A_351 = tpu.memref_slice %arg5[%mul3A_350] : memref<6400xi32, #tpu.memory_space<vmem>> -> memref<40xi32, #tpu.memory_space<vmem>>
      %dma_start3A_352 = arith.constant 0 : i32
      %dma_start3A_353 = arith.constant 0 : i32
      %dma_start3A_354 = tpu.memref_slice %arg2[%dma_start3A_352, %dma_start3A_353] : memref<100000x128xf32, #tpu.memory_space<hbm>> -> memref<100000x128xf32, #tpu.memory_space<hbm>>
      tpu.enqueue_indirect_dma source(%dma_start3A_354 : memref<100000x128xf32, #tpu.memory_space<hbm>>) target(%arg11 : memref<40x128xf32, #tpu.memory_space<vmem>>) offsets(%dma_start3A_351 : memref<40xi32, #tpu.memory_space<vmem>>) semaphore(%arg21 : memref<!tpu.dma_semaphore, #tpu.memory_space<semaphore_mem>>)
      %add3A_355 = arith.constant 7 : i32
      %add3A_356 = arith.addi %mul3A_112, %add3A_355 : i32
      %mul3A_357 = arith.constant 40 : i32
      %mul3A_358 = arith.muli %add3A_356, %mul3A_357 : i32
      %dma_wait3A_359 = tpu.memref_slice %arg5[%mul3A_358] : memref<6400xi32, #tpu.memory_space<vmem>> -> memref<40xi32, #tpu.memory_space<vmem>>
      %dma_wait3A_360 = arith.constant 0 : i32
      %dma_wait3A_361 = arith.constant 0 : i32
      %dma_wait3A_362 = tpu.memref_slice %arg2[%dma_wait3A_360, %dma_wait3A_361] : memref<100000x128xf32, #tpu.memory_space<hbm>> -> memref<100000x128xf32, #tpu.memory_space<hbm>>
      tpu.wait_indirect_dma semaphore(%arg22 : memref<!tpu.dma_semaphore, #tpu.memory_space<semaphore_mem>>) src(%dma_wait3A_362 : memref<100000x128xf32, #tpu.memory_space<hbm>>) dst(%arg12 : memref<40x128xf32, #tpu.memory_space<vmem>>)
      %gt3A_363 = arith.constant 0 : i32
      %gt3A_364 = arith.cmpi sgt, %scan3A_110, %gt3A_363 : i32
      %convert_element_type3A_365 = arith.extui %gt3A_364 : i1 to i32
      %cond3A_366 = arith.constant 0 : i32
      %cond3A_367 = arith.cmpi ne, %convert_element_type3A_365, %cond3A_366 : i32
      scf.if %cond3A_367 {
        %mul3A_825 = arith.constant 40 : i32
        %mul3A_826 = arith.muli %add3A_356, %mul3A_825 : i32
        %add3A_827 = arith.addi %mul3A_2, %mul3A_826 : i32
        %dma_wait3A_828 = arith.constant 5 : i32
        %dma_wait3A_829 = arith.constant 0 : i32
        %dma_wait3A_830 = tpu.memref_slice %arg4[%add3A_827, %dma_wait3A_829] : memref<204800x128xf32, #tpu.memory_space<hbm>> -> memref<40x128xf32, #tpu.memory_space<hbm>>
        %dma_wait3A_831 = arith.constant 0 : i32
        %dma_wait3A_832 = arith.constant 0 : i32
        %dma_wait3A_833 = tpu.memref_slice %arg6[%arg1, %dma_wait3A_828, %dma_wait3A_831, %dma_wait3A_832] : memref<16x6x40x128xf32, #tpu.memory_space<vmem_shared>> -> memref<1x1x40x128xf32, #tpu.memory_space<vmem_shared>>
        %dma_wait3A_834 = tpu.memref_squeeze %dma_wait3A_833 : memref<1x1x40x128xf32, #tpu.memory_space<vmem_shared>> -> memref<40x128xf32, #tpu.memory_space<vmem_shared>>
        tpu.wait_dma2 semaphore(%arg38 : memref<!tpu.dma_semaphore, #tpu.memory_space<semaphore_mem>>) src(%dma_wait3A_834 : memref<40x128xf32, #tpu.memory_space<vmem_shared>>) dst(%dma_wait3A_830 : memref<40x128xf32, #tpu.memory_space<hbm>>)
      } else {
      }
      %dma_start3A_368 = arith.constant 5 : i32
      %dma_start3A_369 = arith.constant 0 : i32
      %dma_start3A_370 = arith.constant 0 : i32
      %dma_start3A_371 = tpu.memref_slice %arg6[%arg1, %dma_start3A_368, %dma_start3A_369, %dma_start3A_370] : memref<16x6x40x128xf32, #tpu.memory_space<vmem_shared>> -> memref<1x1x40x128xf32, #tpu.memory_space<vmem_shared>>
      %dma_start3A_372 = tpu.memref_squeeze %dma_start3A_371 : memref<1x1x40x128xf32, #tpu.memory_space<vmem_shared>> -> memref<40x128xf32, #tpu.memory_space<vmem_shared>>
      %dma_start3A_373 = arith.constant 0 : i32
      %dma_start3A_374 = arith.constant 0 : i32
      %dma_start3A_375 = tpu.memref_slice %arg6[%arg1, %dma_start3A_368, %dma_start3A_373, %dma_start3A_374] : memref<16x6x40x128xf32, #tpu.memory_space<vmem_shared>> -> memref<1x1x40x128xf32, #tpu.memory_space<vmem_shared>>
      %dma_start3A_376 = tpu.memref_squeeze %dma_start3A_375 : memref<1x1x40x128xf32, #tpu.memory_space<vmem_shared>> -> memref<40x128xf32, #tpu.memory_space<vmem_shared>>
      tpu.enqueue_dma source(%arg12 : memref<40x128xf32, #tpu.memory_space<vmem>>) target(%dma_start3A_376 : memref<40x128xf32, #tpu.memory_space<vmem_shared>>) target_semaphore(%arg32 : memref<!tpu.dma_semaphore, #tpu.memory_space<semaphore_mem>>)
      %dma_wait3A_377 = arith.constant 5 : i32
      %dma_wait3A_378 = arith.constant 0 : i32
      %dma_wait3A_379 = arith.constant 0 : i32
      %dma_wait3A_380 = tpu.memref_slice %arg6[%arg1, %dma_wait3A_377, %dma_wait3A_378, %dma_wait3A_379] : memref<16x6x40x128xf32, #tpu.memory_space<vmem_shared>> -> memref<1x1x40x128xf32, #tpu.memory_space<vmem_shared>>
      %dma_wait3A_381 = tpu.memref_squeeze %dma_wait3A_380 : memref<1x1x40x128xf32, #tpu.memory_space<vmem_shared>> -> memref<40x128xf32, #tpu.memory_space<vmem_shared>>
      %dma_wait3A_382 = arith.constant 0 : i32
      %dma_wait3A_383 = arith.constant 0 : i32
      %dma_wait3A_384 = tpu.memref_slice %arg6[%arg1, %dma_wait3A_377, %dma_wait3A_382, %dma_wait3A_383] : memref<16x6x40x128xf32, #tpu.memory_space<vmem_shared>> -> memref<1x1x40x128xf32, #tpu.memory_space<vmem_shared>>
      %dma_wait3A_385 = tpu.memref_squeeze %dma_wait3A_384 : memref<1x1x40x128xf32, #tpu.memory_space<vmem_shared>> -> memref<40x128xf32, #tpu.memory_space<vmem_shared>>
      tpu.wait_dma2 semaphore(%arg32 : memref<!tpu.dma_semaphore, #tpu.memory_space<semaphore_mem>>) src(%arg12 : memref<40x128xf32, #tpu.memory_space<vmem>>) dst(%dma_wait3A_385 : memref<40x128xf32, #tpu.memory_space<vmem_shared>>)
      %mul3A_386 = arith.constant 40 : i32
      %mul3A_387 = arith.muli %add3A_356, %mul3A_386 : i32
      %add3A_388 = arith.addi %mul3A_2, %mul3A_387 : i32
      %dma_start3A_389 = arith.constant 5 : i32
      %dma_start3A_390 = arith.constant 0 : i32
      %dma_start3A_391 = tpu.memref_slice %arg4[%add3A_388, %dma_start3A_390] : memref<204800x128xf32, #tpu.memory_space<hbm>> -> memref<40x128xf32, #tpu.memory_space<hbm>>
      %dma_start3A_392 = arith.constant 0 : i32
      %dma_start3A_393 = arith.constant 0 : i32
      %dma_start3A_394 = tpu.memref_slice %arg6[%arg1, %dma_start3A_389, %dma_start3A_392, %dma_start3A_393] : memref<16x6x40x128xf32, #tpu.memory_space<vmem_shared>> -> memref<1x1x40x128xf32, #tpu.memory_space<vmem_shared>>
      %dma_start3A_395 = tpu.memref_squeeze %dma_start3A_394 : memref<1x1x40x128xf32, #tpu.memory_space<vmem_shared>> -> memref<40x128xf32, #tpu.memory_space<vmem_shared>>
      tpu.enqueue_dma source(%dma_start3A_395 : memref<40x128xf32, #tpu.memory_space<vmem_shared>>) target(%dma_start3A_391 : memref<40x128xf32, #tpu.memory_space<hbm>>) target_semaphore(%arg38 : memref<!tpu.dma_semaphore, #tpu.memory_space<semaphore_mem>>)
      %add3A_396 = arith.constant 8 : i32
      %add3A_397 = arith.addi %add3A_356, %add3A_396 : i32
      %mul3A_398 = arith.constant 40 : i32
      %mul3A_399 = arith.muli %add3A_397, %mul3A_398 : i32
      %dma_start3A_400 = tpu.memref_slice %arg5[%mul3A_399] : memref<6400xi32, #tpu.memory_space<vmem>> -> memref<40xi32, #tpu.memory_space<vmem>>
      %dma_start3A_401 = arith.constant 0 : i32
      %dma_start3A_402 = arith.constant 0 : i32
      %dma_start3A_403 = tpu.memref_slice %arg2[%dma_start3A_401, %dma_start3A_402] : memref<100000x128xf32, #tpu.memory_space<hbm>> -> memref<100000x128xf32, #tpu.memory_space<hbm>>
      tpu.enqueue_indirect_dma source(%dma_start3A_403 : memref<100000x128xf32, #tpu.memory_space<hbm>>) target(%arg12 : memref<40x128xf32, #tpu.memory_space<vmem>>) offsets(%dma_start3A_400 : memref<40xi32, #tpu.memory_space<vmem>>) semaphore(%arg22 : memref<!tpu.dma_semaphore, #tpu.memory_space<semaphore_mem>>)
      %add3A_404 = arith.constant 0 : i32
      %add3A_405 = arith.addi %mul3A_112, %add3A_404 : i32
      %mul3A_406 = arith.constant 40 : i32
      %mul3A_407 = arith.muli %add3A_405, %mul3A_406 : i32
      %dma_wait3A_408 = tpu.memref_slice %arg5[%mul3A_407] : memref<6400xi32, #tpu.memory_space<vmem>> -> memref<40xi32, #tpu.memory_space<vmem>>
      %dma_wait3A_409 = arith.constant 0 : i32
      %dma_wait3A_410 = arith.constant 0 : i32
      %dma_wait3A_411 = tpu.memref_slice %arg2[%dma_wait3A_409, %dma_wait3A_410] : memref<100000x128xf32, #tpu.memory_space<hbm>> -> memref<100000x128xf32, #tpu.memory_space<hbm>>
      tpu.wait_indirect_dma semaphore(%arg23 : memref<!tpu.dma_semaphore, #tpu.memory_space<semaphore_mem>>) src(%dma_wait3A_411 : memref<100000x128xf32, #tpu.memory_space<hbm>>) dst(%arg13 : memref<40x128xf32, #tpu.memory_space<vmem>>)
      %mul3A_412 = arith.constant 40 : i32
      %mul3A_413 = arith.muli %add3A_405, %mul3A_412 : i32
      %add3A_414 = arith.addi %mul3A_2, %mul3A_413 : i32
      %dma_start3A_415 = arith.constant 0 : i32
      %dma_start3A_416 = tpu.memref_slice %arg4[%add3A_414, %dma_start3A_415] : memref<204800x128xf32, #tpu.memory_space<hbm>> -> memref<40x128xf32, #tpu.memory_space<hbm>>
      %dma_start3A_417 = arith.constant 0 : i32
      %dma_start3A_418 = tpu.memref_slice %arg4[%add3A_414, %dma_start3A_417] : memref<204800x128xf32, #tpu.memory_space<hbm>> -> memref<40x128xf32, #tpu.memory_space<hbm>>
      tpu.enqueue_dma source(%arg13 : memref<40x128xf32, #tpu.memory_space<vmem>>) target(%dma_start3A_418 : memref<40x128xf32, #tpu.memory_space<hbm>>) target_semaphore(%arg39 : memref<!tpu.dma_semaphore, #tpu.memory_space<semaphore_mem>>)
      %add3A_419 = arith.constant 4 : i32
      %add3A_420 = arith.addi %mul3A_112, %add3A_419 : i32
      %mul3A_421 = arith.constant 40 : i32
      %mul3A_422 = arith.muli %add3A_420, %mul3A_421 : i32
      %dma_wait3A_423 = tpu.memref_slice %arg5[%mul3A_422] : memref<6400xi32, #tpu.memory_space<vmem>> -> memref<40xi32, #tpu.memory_space<vmem>>
      %dma_wait3A_424 = arith.constant 0 : i32
      %dma_wait3A_425 = arith.constant 0 : i32
      %dma_wait3A_426 = tpu.memref_slice %arg2[%dma_wait3A_424, %dma_wait3A_425] : memref<100000x128xf32, #tpu.memory_space<hbm>> -> memref<100000x128xf32, #tpu.memory_space<hbm>>
      tpu.wait_indirect_dma semaphore(%arg24 : memref<!tpu.dma_semaphore, #tpu.memory_space<semaphore_mem>>) src(%dma_wait3A_426 : memref<100000x128xf32, #tpu.memory_space<hbm>>) dst(%arg14 : memref<40x128xf32, #tpu.memory_space<vmem>>)
      %mul3A_427 = arith.constant 40 : i32
      %mul3A_428 = arith.muli %add3A_420, %mul3A_427 : i32
      %add3A_429 = arith.addi %mul3A_2, %mul3A_428 : i32
      %dma_start3A_430 = arith.constant 0 : i32
      %dma_start3A_431 = tpu.memref_slice %arg4[%add3A_429, %dma_start3A_430] : memref<204800x128xf32, #tpu.memory_space<hbm>> -> memref<40x128xf32, #tpu.memory_space<hbm>>
      %dma_start3A_432 = arith.constant 0 : i32
      %dma_start3A_433 = tpu.memref_slice %arg4[%add3A_429, %dma_start3A_432] : memref<204800x128xf32, #tpu.memory_space<hbm>> -> memref<40x128xf32, #tpu.memory_space<hbm>>
      tpu.enqueue_dma source(%arg14 : memref<40x128xf32, #tpu.memory_space<vmem>>) target(%dma_start3A_433 : memref<40x128xf32, #tpu.memory_space<hbm>>) target_semaphore(%arg40 : memref<!tpu.dma_semaphore, #tpu.memory_space<semaphore_mem>>)
      %add3A_434 = arith.constant 9 : i32
      %add3A_435 = arith.addi %mul3A_112, %add3A_434 : i32
      %mul3A_436 = arith.constant 40 : i32
      %mul3A_437 = arith.muli %add3A_435, %mul3A_436 : i32
      %dma_wait3A_438 = tpu.memref_slice %arg5[%mul3A_437] : memref<6400xi32, #tpu.memory_space<vmem>> -> memref<40xi32, #tpu.memory_space<vmem>>
      %dma_wait3A_439 = arith.constant 0 : i32
      %dma_wait3A_440 = arith.constant 0 : i32
      %dma_wait3A_441 = tpu.memref_slice %arg2[%dma_wait3A_439, %dma_wait3A_440] : memref<100000x128xf32, #tpu.memory_space<hbm>> -> memref<100000x128xf32, #tpu.memory_space<hbm>>
      tpu.wait_indirect_dma semaphore(%arg17 : memref<!tpu.dma_semaphore, #tpu.memory_space<semaphore_mem>>) src(%dma_wait3A_441 : memref<100000x128xf32, #tpu.memory_space<hbm>>) dst(%arg7 : memref<40x128xf32, #tpu.memory_space<vmem>>)
      %mul3A_442 = arith.constant 40 : i32
      %mul3A_443 = arith.muli %add3A_435, %mul3A_442 : i32
      %add3A_444 = arith.addi %mul3A_2, %mul3A_443 : i32
      %dma_wait3A_445 = arith.constant 0 : i32
      %dma_wait3A_446 = arith.constant 0 : i32
      %dma_wait3A_447 = tpu.memref_slice %arg4[%add3A_444, %dma_wait3A_446] : memref<204800x128xf32, #tpu.memory_space<hbm>> -> memref<40x128xf32, #tpu.memory_space<hbm>>
      %dma_wait3A_448 = arith.constant 0 : i32
      %dma_wait3A_449 = arith.constant 0 : i32
      %dma_wait3A_450 = tpu.memref_slice %arg6[%arg1, %dma_wait3A_445, %dma_wait3A_448, %dma_wait3A_449] : memref<16x6x40x128xf32, #tpu.memory_space<vmem_shared>> -> memref<1x1x40x128xf32, #tpu.memory_space<vmem_shared>>
      %dma_wait3A_451 = tpu.memref_squeeze %dma_wait3A_450 : memref<1x1x40x128xf32, #tpu.memory_space<vmem_shared>> -> memref<40x128xf32, #tpu.memory_space<vmem_shared>>
      tpu.wait_dma2 semaphore(%arg33 : memref<!tpu.dma_semaphore, #tpu.memory_space<semaphore_mem>>) src(%dma_wait3A_451 : memref<40x128xf32, #tpu.memory_space<vmem_shared>>) dst(%dma_wait3A_447 : memref<40x128xf32, #tpu.memory_space<hbm>>)
      %dma_start3A_452 = arith.constant 0 : i32
      %dma_start3A_453 = arith.constant 0 : i32
      %dma_start3A_454 = arith.constant 0 : i32
      %dma_start3A_455 = tpu.memref_slice %arg6[%arg1, %dma_start3A_452, %dma_start3A_453, %dma_start3A_454] : memref<16x6x40x128xf32, #tpu.memory_space<vmem_shared>> -> memref<1x1x40x128xf32, #tpu.memory_space<vmem_shared>>
      %dma_start3A_456 = tpu.memref_squeeze %dma_start3A_455 : memref<1x1x40x128xf32, #tpu.memory_space<vmem_shared>> -> memref<40x128xf32, #tpu.memory_space<vmem_shared>>
      %dma_start3A_457 = arith.constant 0 : i32
      %dma_start3A_458 = arith.constant 0 : i32
      %dma_start3A_459 = tpu.memref_slice %arg6[%arg1, %dma_start3A_452, %dma_start3A_457, %dma_start3A_458] : memref<16x6x40x128xf32, #tpu.memory_space<vmem_shared>> -> memref<1x1x40x128xf32, #tpu.memory_space<vmem_shared>>
      %dma_start3A_460 = tpu.memref_squeeze %dma_start3A_459 : memref<1x1x40x128xf32, #tpu.memory_space<vmem_shared>> -> memref<40x128xf32, #tpu.memory_space<vmem_shared>>
      tpu.enqueue_dma source(%arg7 : memref<40x128xf32, #tpu.memory_space<vmem>>) target(%dma_start3A_460 : memref<40x128xf32, #tpu.memory_space<vmem_shared>>) target_semaphore(%arg27 : memref<!tpu.dma_semaphore, #tpu.memory_space<semaphore_mem>>)
      %dma_wait3A_461 = arith.constant 0 : i32
      %dma_wait3A_462 = arith.constant 0 : i32
      %dma_wait3A_463 = arith.constant 0 : i32
      %dma_wait3A_464 = tpu.memref_slice %arg6[%arg1, %dma_wait3A_461, %dma_wait3A_462, %dma_wait3A_463] : memref<16x6x40x128xf32, #tpu.memory_space<vmem_shared>> -> memref<1x1x40x128xf32, #tpu.memory_space<vmem_shared>>
      %dma_wait3A_465 = tpu.memref_squeeze %dma_wait3A_464 : memref<1x1x40x128xf32, #tpu.memory_space<vmem_shared>> -> memref<40x128xf32, #tpu.memory_space<vmem_shared>>
      %dma_wait3A_466 = arith.constant 0 : i32
      %dma_wait3A_467 = arith.constant 0 : i32
      %dma_wait3A_468 = tpu.memref_slice %arg6[%arg1, %dma_wait3A_461, %dma_wait3A_466, %dma_wait3A_467] : memref<16x6x40x128xf32, #tpu.memory_space<vmem_shared>> -> memref<1x1x40x128xf32, #tpu.memory_space<vmem_shared>>
      %dma_wait3A_469 = tpu.memref_squeeze %dma_wait3A_468 : memref<1x1x40x128xf32, #tpu.memory_space<vmem_shared>> -> memref<40x128xf32, #tpu.memory_space<vmem_shared>>
      tpu.wait_dma2 semaphore(%arg27 : memref<!tpu.dma_semaphore, #tpu.memory_space<semaphore_mem>>) src(%arg7 : memref<40x128xf32, #tpu.memory_space<vmem>>) dst(%dma_wait3A_469 : memref<40x128xf32, #tpu.memory_space<vmem_shared>>)
      %mul3A_470 = arith.constant 40 : i32
      %mul3A_471 = arith.muli %add3A_435, %mul3A_470 : i32
      %add3A_472 = arith.addi %mul3A_2, %mul3A_471 : i32
      %dma_start3A_473 = arith.constant 0 : i32
      %dma_start3A_474 = arith.constant 0 : i32
      %dma_start3A_475 = tpu.memref_slice %arg4[%add3A_472, %dma_start3A_474] : memref<204800x128xf32, #tpu.memory_space<hbm>> -> memref<40x128xf32, #tpu.memory_space<hbm>>
      %dma_start3A_476 = arith.constant 0 : i32
      %dma_start3A_477 = arith.constant 0 : i32
      %dma_start3A_478 = tpu.memref_slice %arg6[%arg1, %dma_start3A_473, %dma_start3A_476, %dma_start3A_477] : memref<16x6x40x128xf32, #tpu.memory_space<vmem_shared>> -> memref<1x1x40x128xf32, #tpu.memory_space<vmem_shared>>
      %dma_start3A_479 = tpu.memref_squeeze %dma_start3A_478 : memref<1x1x40x128xf32, #tpu.memory_space<vmem_shared>> -> memref<40x128xf32, #tpu.memory_space<vmem_shared>>
      tpu.enqueue_dma source(%dma_start3A_479 : memref<40x128xf32, #tpu.memory_space<vmem_shared>>) target(%dma_start3A_475 : memref<40x128xf32, #tpu.memory_space<hbm>>) target_semaphore(%arg33 : memref<!tpu.dma_semaphore, #tpu.memory_space<semaphore_mem>>)
      %lt3A = arith.constant 9 : i32
      %lt3A_480 = arith.cmpi slt, %scan3A_110, %lt3A : i32
      %convert_element_type3A_481 = arith.extui %lt3A_480 : i1 to i32
      %cond3A_482 = arith.constant 0 : i32
      %cond3A_483 = arith.cmpi ne, %convert_element_type3A_481, %cond3A_482 : i32
      scf.if %cond3A_483 {
        %add3A_825 = arith.constant 16 : i32
        %add3A_826 = arith.addi %mul3A_112, %add3A_825 : i32
        %add3A_827 = arith.constant 1 : i32
        %add3A_828 = arith.addi %add3A_826, %add3A_827 : i32
        %mul3A_829 = arith.constant 40 : i32
        %mul3A_830 = arith.muli %add3A_828, %mul3A_829 : i32
        %dma_start3A_831 = tpu.memref_slice %arg5[%mul3A_830] : memref<6400xi32, #tpu.memory_space<vmem>> -> memref<40xi32, #tpu.memory_space<vmem>>
        %dma_start3A_832 = arith.constant 0 : i32
        %dma_start3A_833 = arith.constant 0 : i32
        %dma_start3A_834 = tpu.memref_slice %arg2[%dma_start3A_832, %dma_start3A_833] : memref<100000x128xf32, #tpu.memory_space<hbm>> -> memref<100000x128xf32, #tpu.memory_space<hbm>>
        tpu.enqueue_indirect_dma source(%dma_start3A_834 : memref<100000x128xf32, #tpu.memory_space<hbm>>) target(%arg7 : memref<40x128xf32, #tpu.memory_space<vmem>>) offsets(%dma_start3A_831 : memref<40xi32, #tpu.memory_space<vmem>>) semaphore(%arg17 : memref<!tpu.dma_semaphore, #tpu.memory_space<semaphore_mem>>)
      } else {
      }
      %add3A_484 = arith.constant 10 : i32
      %add3A_485 = arith.addi %mul3A_112, %add3A_484 : i32
      %mul3A_486 = arith.constant 40 : i32
      %mul3A_487 = arith.muli %add3A_485, %mul3A_486 : i32
      %dma_wait3A_488 = tpu.memref_slice %arg5[%mul3A_487] : memref<6400xi32, #tpu.memory_space<vmem>> -> memref<40xi32, #tpu.memory_space<vmem>>
      %dma_wait3A_489 = arith.constant 0 : i32
      %dma_wait3A_490 = arith.constant 0 : i32
      %dma_wait3A_491 = tpu.memref_slice %arg2[%dma_wait3A_489, %dma_wait3A_490] : memref<100000x128xf32, #tpu.memory_space<hbm>> -> memref<100000x128xf32, #tpu.memory_space<hbm>>
      tpu.wait_indirect_dma semaphore(%arg18 : memref<!tpu.dma_semaphore, #tpu.memory_space<semaphore_mem>>) src(%dma_wait3A_491 : memref<100000x128xf32, #tpu.memory_space<hbm>>) dst(%arg8 : memref<40x128xf32, #tpu.memory_space<vmem>>)
      %mul3A_492 = arith.constant 40 : i32
      %mul3A_493 = arith.muli %add3A_485, %mul3A_492 : i32
      %add3A_494 = arith.addi %mul3A_2, %mul3A_493 : i32
      %dma_wait3A_495 = arith.constant 1 : i32
      %dma_wait3A_496 = arith.constant 0 : i32
      %dma_wait3A_497 = tpu.memref_slice %arg4[%add3A_494, %dma_wait3A_496] : memref<204800x128xf32, #tpu.memory_space<hbm>> -> memref<40x128xf32, #tpu.memory_space<hbm>>
      %dma_wait3A_498 = arith.constant 0 : i32
      %dma_wait3A_499 = arith.constant 0 : i32
      %dma_wait3A_500 = tpu.memref_slice %arg6[%arg1, %dma_wait3A_495, %dma_wait3A_498, %dma_wait3A_499] : memref<16x6x40x128xf32, #tpu.memory_space<vmem_shared>> -> memref<1x1x40x128xf32, #tpu.memory_space<vmem_shared>>
      %dma_wait3A_501 = tpu.memref_squeeze %dma_wait3A_500 : memref<1x1x40x128xf32, #tpu.memory_space<vmem_shared>> -> memref<40x128xf32, #tpu.memory_space<vmem_shared>>
      tpu.wait_dma2 semaphore(%arg34 : memref<!tpu.dma_semaphore, #tpu.memory_space<semaphore_mem>>) src(%dma_wait3A_501 : memref<40x128xf32, #tpu.memory_space<vmem_shared>>) dst(%dma_wait3A_497 : memref<40x128xf32, #tpu.memory_space<hbm>>)
      %dma_start3A_502 = arith.constant 1 : i32
      %dma_start3A_503 = arith.constant 0 : i32
      %dma_start3A_504 = arith.constant 0 : i32
      %dma_start3A_505 = tpu.memref_slice %arg6[%arg1, %dma_start3A_502, %dma_start3A_503, %dma_start3A_504] : memref<16x6x40x128xf32, #tpu.memory_space<vmem_shared>> -> memref<1x1x40x128xf32, #tpu.memory_space<vmem_shared>>
      %dma_start3A_506 = tpu.memref_squeeze %dma_start3A_505 : memref<1x1x40x128xf32, #tpu.memory_space<vmem_shared>> -> memref<40x128xf32, #tpu.memory_space<vmem_shared>>
      %dma_start3A_507 = arith.constant 0 : i32
      %dma_start3A_508 = arith.constant 0 : i32
      %dma_start3A_509 = tpu.memref_slice %arg6[%arg1, %dma_start3A_502, %dma_start3A_507, %dma_start3A_508] : memref<16x6x40x128xf32, #tpu.memory_space<vmem_shared>> -> memref<1x1x40x128xf32, #tpu.memory_space<vmem_shared>>
      %dma_start3A_510 = tpu.memref_squeeze %dma_start3A_509 : memref<1x1x40x128xf32, #tpu.memory_space<vmem_shared>> -> memref<40x128xf32, #tpu.memory_space<vmem_shared>>
      tpu.enqueue_dma source(%arg8 : memref<40x128xf32, #tpu.memory_space<vmem>>) target(%dma_start3A_510 : memref<40x128xf32, #tpu.memory_space<vmem_shared>>) target_semaphore(%arg28 : memref<!tpu.dma_semaphore, #tpu.memory_space<semaphore_mem>>)
      %dma_wait3A_511 = arith.constant 1 : i32
      %dma_wait3A_512 = arith.constant 0 : i32
      %dma_wait3A_513 = arith.constant 0 : i32
      %dma_wait3A_514 = tpu.memref_slice %arg6[%arg1, %dma_wait3A_511, %dma_wait3A_512, %dma_wait3A_513] : memref<16x6x40x128xf32, #tpu.memory_space<vmem_shared>> -> memref<1x1x40x128xf32, #tpu.memory_space<vmem_shared>>
      %dma_wait3A_515 = tpu.memref_squeeze %dma_wait3A_514 : memref<1x1x40x128xf32, #tpu.memory_space<vmem_shared>> -> memref<40x128xf32, #tpu.memory_space<vmem_shared>>
      %dma_wait3A_516 = arith.constant 0 : i32
      %dma_wait3A_517 = arith.constant 0 : i32
      %dma_wait3A_518 = tpu.memref_slice %arg6[%arg1, %dma_wait3A_511, %dma_wait3A_516, %dma_wait3A_517] : memref<16x6x40x128xf32, #tpu.memory_space<vmem_shared>> -> memref<1x1x40x128xf32, #tpu.memory_space<vmem_shared>>
      %dma_wait3A_519 = tpu.memref_squeeze %dma_wait3A_518 : memref<1x1x40x128xf32, #tpu.memory_space<vmem_shared>> -> memref<40x128xf32, #tpu.memory_space<vmem_shared>>
      tpu.wait_dma2 semaphore(%arg28 : memref<!tpu.dma_semaphore, #tpu.memory_space<semaphore_mem>>) src(%arg8 : memref<40x128xf32, #tpu.memory_space<vmem>>) dst(%dma_wait3A_519 : memref<40x128xf32, #tpu.memory_space<vmem_shared>>)
      %mul3A_520 = arith.constant 40 : i32
      %mul3A_521 = arith.muli %add3A_485, %mul3A_520 : i32
      %add3A_522 = arith.addi %mul3A_2, %mul3A_521 : i32
      %dma_start3A_523 = arith.constant 1 : i32
      %dma_start3A_524 = arith.constant 0 : i32
      %dma_start3A_525 = tpu.memref_slice %arg4[%add3A_522, %dma_start3A_524] : memref<204800x128xf32, #tpu.memory_space<hbm>> -> memref<40x128xf32, #tpu.memory_space<hbm>>
      %dma_start3A_526 = arith.constant 0 : i32
      %dma_start3A_527 = arith.constant 0 : i32
      %dma_start3A_528 = tpu.memref_slice %arg6[%arg1, %dma_start3A_523, %dma_start3A_526, %dma_start3A_527] : memref<16x6x40x128xf32, #tpu.memory_space<vmem_shared>> -> memref<1x1x40x128xf32, #tpu.memory_space<vmem_shared>>
      %dma_start3A_529 = tpu.memref_squeeze %dma_start3A_528 : memref<1x1x40x128xf32, #tpu.memory_space<vmem_shared>> -> memref<40x128xf32, #tpu.memory_space<vmem_shared>>
      tpu.enqueue_dma source(%dma_start3A_529 : memref<40x128xf32, #tpu.memory_space<vmem_shared>>) target(%dma_start3A_525 : memref<40x128xf32, #tpu.memory_space<hbm>>) target_semaphore(%arg34 : memref<!tpu.dma_semaphore, #tpu.memory_space<semaphore_mem>>)
      %lt3A_530 = arith.constant 9 : i32
      %lt3A_531 = arith.cmpi slt, %scan3A_110, %lt3A_530 : i32
      %convert_element_type3A_532 = arith.extui %lt3A_531 : i1 to i32
      %cond3A_533 = arith.constant 0 : i32
      %cond3A_534 = arith.cmpi ne, %convert_element_type3A_532, %cond3A_533 : i32
      scf.if %cond3A_534 {
        %add3A_825 = arith.constant 16 : i32
        %add3A_826 = arith.addi %mul3A_112, %add3A_825 : i32
        %add3A_827 = arith.constant 2 : i32
        %add3A_828 = arith.addi %add3A_826, %add3A_827 : i32
        %mul3A_829 = arith.constant 40 : i32
        %mul3A_830 = arith.muli %add3A_828, %mul3A_829 : i32
        %dma_start3A_831 = tpu.memref_slice %arg5[%mul3A_830] : memref<6400xi32, #tpu.memory_space<vmem>> -> memref<40xi32, #tpu.memory_space<vmem>>
        %dma_start3A_832 = arith.constant 0 : i32
        %dma_start3A_833 = arith.constant 0 : i32
        %dma_start3A_834 = tpu.memref_slice %arg2[%dma_start3A_832, %dma_start3A_833] : memref<100000x128xf32, #tpu.memory_space<hbm>> -> memref<100000x128xf32, #tpu.memory_space<hbm>>
        tpu.enqueue_indirect_dma source(%dma_start3A_834 : memref<100000x128xf32, #tpu.memory_space<hbm>>) target(%arg8 : memref<40x128xf32, #tpu.memory_space<vmem>>) offsets(%dma_start3A_831 : memref<40xi32, #tpu.memory_space<vmem>>) semaphore(%arg18 : memref<!tpu.dma_semaphore, #tpu.memory_space<semaphore_mem>>)
      } else {
      }
      %add3A_535 = arith.constant 11 : i32
      %add3A_536 = arith.addi %mul3A_112, %add3A_535 : i32
      %mul3A_537 = arith.constant 40 : i32
      %mul3A_538 = arith.muli %add3A_536, %mul3A_537 : i32
      %dma_wait3A_539 = tpu.memref_slice %arg5[%mul3A_538] : memref<6400xi32, #tpu.memory_space<vmem>> -> memref<40xi32, #tpu.memory_space<vmem>>
      %dma_wait3A_540 = arith.constant 0 : i32
      %dma_wait3A_541 = arith.constant 0 : i32
      %dma_wait3A_542 = tpu.memref_slice %arg2[%dma_wait3A_540, %dma_wait3A_541] : memref<100000x128xf32, #tpu.memory_space<hbm>> -> memref<100000x128xf32, #tpu.memory_space<hbm>>
      tpu.wait_indirect_dma semaphore(%arg19 : memref<!tpu.dma_semaphore, #tpu.memory_space<semaphore_mem>>) src(%dma_wait3A_542 : memref<100000x128xf32, #tpu.memory_space<hbm>>) dst(%arg9 : memref<40x128xf32, #tpu.memory_space<vmem>>)
      %mul3A_543 = arith.constant 40 : i32
      %mul3A_544 = arith.muli %add3A_536, %mul3A_543 : i32
      %add3A_545 = arith.addi %mul3A_2, %mul3A_544 : i32
      %dma_wait3A_546 = arith.constant 2 : i32
      %dma_wait3A_547 = arith.constant 0 : i32
      %dma_wait3A_548 = tpu.memref_slice %arg4[%add3A_545, %dma_wait3A_547] : memref<204800x128xf32, #tpu.memory_space<hbm>> -> memref<40x128xf32, #tpu.memory_space<hbm>>
      %dma_wait3A_549 = arith.constant 0 : i32
      %dma_wait3A_550 = arith.constant 0 : i32
      %dma_wait3A_551 = tpu.memref_slice %arg6[%arg1, %dma_wait3A_546, %dma_wait3A_549, %dma_wait3A_550] : memref<16x6x40x128xf32, #tpu.memory_space<vmem_shared>> -> memref<1x1x40x128xf32, #tpu.memory_space<vmem_shared>>
      %dma_wait3A_552 = tpu.memref_squeeze %dma_wait3A_551 : memref<1x1x40x128xf32, #tpu.memory_space<vmem_shared>> -> memref<40x128xf32, #tpu.memory_space<vmem_shared>>
      tpu.wait_dma2 semaphore(%arg35 : memref<!tpu.dma_semaphore, #tpu.memory_space<semaphore_mem>>) src(%dma_wait3A_552 : memref<40x128xf32, #tpu.memory_space<vmem_shared>>) dst(%dma_wait3A_548 : memref<40x128xf32, #tpu.memory_space<hbm>>)
      %dma_start3A_553 = arith.constant 2 : i32
      %dma_start3A_554 = arith.constant 0 : i32
      %dma_start3A_555 = arith.constant 0 : i32
      %dma_start3A_556 = tpu.memref_slice %arg6[%arg1, %dma_start3A_553, %dma_start3A_554, %dma_start3A_555] : memref<16x6x40x128xf32, #tpu.memory_space<vmem_shared>> -> memref<1x1x40x128xf32, #tpu.memory_space<vmem_shared>>
      %dma_start3A_557 = tpu.memref_squeeze %dma_start3A_556 : memref<1x1x40x128xf32, #tpu.memory_space<vmem_shared>> -> memref<40x128xf32, #tpu.memory_space<vmem_shared>>
      %dma_start3A_558 = arith.constant 0 : i32
      %dma_start3A_559 = arith.constant 0 : i32
      %dma_start3A_560 = tpu.memref_slice %arg6[%arg1, %dma_start3A_553, %dma_start3A_558, %dma_start3A_559] : memref<16x6x40x128xf32, #tpu.memory_space<vmem_shared>> -> memref<1x1x40x128xf32, #tpu.memory_space<vmem_shared>>
      %dma_start3A_561 = tpu.memref_squeeze %dma_start3A_560 : memref<1x1x40x128xf32, #tpu.memory_space<vmem_shared>> -> memref<40x128xf32, #tpu.memory_space<vmem_shared>>
      tpu.enqueue_dma source(%arg9 : memref<40x128xf32, #tpu.memory_space<vmem>>) target(%dma_start3A_561 : memref<40x128xf32, #tpu.memory_space<vmem_shared>>) target_semaphore(%arg29 : memref<!tpu.dma_semaphore, #tpu.memory_space<semaphore_mem>>)
      %dma_wait3A_562 = arith.constant 2 : i32
      %dma_wait3A_563 = arith.constant 0 : i32
      %dma_wait3A_564 = arith.constant 0 : i32
      %dma_wait3A_565 = tpu.memref_slice %arg6[%arg1, %dma_wait3A_562, %dma_wait3A_563, %dma_wait3A_564] : memref<16x6x40x128xf32, #tpu.memory_space<vmem_shared>> -> memref<1x1x40x128xf32, #tpu.memory_space<vmem_shared>>
      %dma_wait3A_566 = tpu.memref_squeeze %dma_wait3A_565 : memref<1x1x40x128xf32, #tpu.memory_space<vmem_shared>> -> memref<40x128xf32, #tpu.memory_space<vmem_shared>>
      %dma_wait3A_567 = arith.constant 0 : i32
      %dma_wait3A_568 = arith.constant 0 : i32
      %dma_wait3A_569 = tpu.memref_slice %arg6[%arg1, %dma_wait3A_562, %dma_wait3A_567, %dma_wait3A_568] : memref<16x6x40x128xf32, #tpu.memory_space<vmem_shared>> -> memref<1x1x40x128xf32, #tpu.memory_space<vmem_shared>>
      %dma_wait3A_570 = tpu.memref_squeeze %dma_wait3A_569 : memref<1x1x40x128xf32, #tpu.memory_space<vmem_shared>> -> memref<40x128xf32, #tpu.memory_space<vmem_shared>>
      tpu.wait_dma2 semaphore(%arg29 : memref<!tpu.dma_semaphore, #tpu.memory_space<semaphore_mem>>) src(%arg9 : memref<40x128xf32, #tpu.memory_space<vmem>>) dst(%dma_wait3A_570 : memref<40x128xf32, #tpu.memory_space<vmem_shared>>)
      %mul3A_571 = arith.constant 40 : i32
      %mul3A_572 = arith.muli %add3A_536, %mul3A_571 : i32
      %add3A_573 = arith.addi %mul3A_2, %mul3A_572 : i32
      %dma_start3A_574 = arith.constant 2 : i32
      %dma_start3A_575 = arith.constant 0 : i32
      %dma_start3A_576 = tpu.memref_slice %arg4[%add3A_573, %dma_start3A_575] : memref<204800x128xf32, #tpu.memory_space<hbm>> -> memref<40x128xf32, #tpu.memory_space<hbm>>
      %dma_start3A_577 = arith.constant 0 : i32
      %dma_start3A_578 = arith.constant 0 : i32
      %dma_start3A_579 = tpu.memref_slice %arg6[%arg1, %dma_start3A_574, %dma_start3A_577, %dma_start3A_578] : memref<16x6x40x128xf32, #tpu.memory_space<vmem_shared>> -> memref<1x1x40x128xf32, #tpu.memory_space<vmem_shared>>
      %dma_start3A_580 = tpu.memref_squeeze %dma_start3A_579 : memref<1x1x40x128xf32, #tpu.memory_space<vmem_shared>> -> memref<40x128xf32, #tpu.memory_space<vmem_shared>>
      tpu.enqueue_dma source(%dma_start3A_580 : memref<40x128xf32, #tpu.memory_space<vmem_shared>>) target(%dma_start3A_576 : memref<40x128xf32, #tpu.memory_space<hbm>>) target_semaphore(%arg35 : memref<!tpu.dma_semaphore, #tpu.memory_space<semaphore_mem>>)
      %lt3A_581 = arith.constant 9 : i32
      %lt3A_582 = arith.cmpi slt, %scan3A_110, %lt3A_581 : i32
      %convert_element_type3A_583 = arith.extui %lt3A_582 : i1 to i32
      %cond3A_584 = arith.constant 0 : i32
      %cond3A_585 = arith.cmpi ne, %convert_element_type3A_583, %cond3A_584 : i32
      scf.if %cond3A_585 {
        %add3A_825 = arith.constant 16 : i32
        %add3A_826 = arith.addi %mul3A_112, %add3A_825 : i32
        %add3A_827 = arith.constant 3 : i32
        %add3A_828 = arith.addi %add3A_826, %add3A_827 : i32
        %mul3A_829 = arith.constant 40 : i32
        %mul3A_830 = arith.muli %add3A_828, %mul3A_829 : i32
        %dma_start3A_831 = tpu.memref_slice %arg5[%mul3A_830] : memref<6400xi32, #tpu.memory_space<vmem>> -> memref<40xi32, #tpu.memory_space<vmem>>
        %dma_start3A_832 = arith.constant 0 : i32
        %dma_start3A_833 = arith.constant 0 : i32
        %dma_start3A_834 = tpu.memref_slice %arg2[%dma_start3A_832, %dma_start3A_833] : memref<100000x128xf32, #tpu.memory_space<hbm>> -> memref<100000x128xf32, #tpu.memory_space<hbm>>
        tpu.enqueue_indirect_dma source(%dma_start3A_834 : memref<100000x128xf32, #tpu.memory_space<hbm>>) target(%arg9 : memref<40x128xf32, #tpu.memory_space<vmem>>) offsets(%dma_start3A_831 : memref<40xi32, #tpu.memory_space<vmem>>) semaphore(%arg19 : memref<!tpu.dma_semaphore, #tpu.memory_space<semaphore_mem>>)
      } else {
      }
      %add3A_586 = arith.constant 13 : i32
      %add3A_587 = arith.addi %mul3A_112, %add3A_586 : i32
      %mul3A_588 = arith.constant 40 : i32
      %mul3A_589 = arith.muli %add3A_587, %mul3A_588 : i32
      %dma_wait3A_590 = tpu.memref_slice %arg5[%mul3A_589] : memref<6400xi32, #tpu.memory_space<vmem>> -> memref<40xi32, #tpu.memory_space<vmem>>
      %dma_wait3A_591 = arith.constant 0 : i32
      %dma_wait3A_592 = arith.constant 0 : i32
      %dma_wait3A_593 = tpu.memref_slice %arg2[%dma_wait3A_591, %dma_wait3A_592] : memref<100000x128xf32, #tpu.memory_space<hbm>> -> memref<100000x128xf32, #tpu.memory_space<hbm>>
      tpu.wait_indirect_dma semaphore(%arg20 : memref<!tpu.dma_semaphore, #tpu.memory_space<semaphore_mem>>) src(%dma_wait3A_593 : memref<100000x128xf32, #tpu.memory_space<hbm>>) dst(%arg10 : memref<40x128xf32, #tpu.memory_space<vmem>>)
      %mul3A_594 = arith.constant 40 : i32
      %mul3A_595 = arith.muli %add3A_587, %mul3A_594 : i32
      %add3A_596 = arith.addi %mul3A_2, %mul3A_595 : i32
      %dma_wait3A_597 = arith.constant 3 : i32
      %dma_wait3A_598 = arith.constant 0 : i32
      %dma_wait3A_599 = tpu.memref_slice %arg4[%add3A_596, %dma_wait3A_598] : memref<204800x128xf32, #tpu.memory_space<hbm>> -> memref<40x128xf32, #tpu.memory_space<hbm>>
      %dma_wait3A_600 = arith.constant 0 : i32
      %dma_wait3A_601 = arith.constant 0 : i32
      %dma_wait3A_602 = tpu.memref_slice %arg6[%arg1, %dma_wait3A_597, %dma_wait3A_600, %dma_wait3A_601] : memref<16x6x40x128xf32, #tpu.memory_space<vmem_shared>> -> memref<1x1x40x128xf32, #tpu.memory_space<vmem_shared>>
      %dma_wait3A_603 = tpu.memref_squeeze %dma_wait3A_602 : memref<1x1x40x128xf32, #tpu.memory_space<vmem_shared>> -> memref<40x128xf32, #tpu.memory_space<vmem_shared>>
      tpu.wait_dma2 semaphore(%arg36 : memref<!tpu.dma_semaphore, #tpu.memory_space<semaphore_mem>>) src(%dma_wait3A_603 : memref<40x128xf32, #tpu.memory_space<vmem_shared>>) dst(%dma_wait3A_599 : memref<40x128xf32, #tpu.memory_space<hbm>>)
      %dma_start3A_604 = arith.constant 3 : i32
      %dma_start3A_605 = arith.constant 0 : i32
      %dma_start3A_606 = arith.constant 0 : i32
      %dma_start3A_607 = tpu.memref_slice %arg6[%arg1, %dma_start3A_604, %dma_start3A_605, %dma_start3A_606] : memref<16x6x40x128xf32, #tpu.memory_space<vmem_shared>> -> memref<1x1x40x128xf32, #tpu.memory_space<vmem_shared>>
      %dma_start3A_608 = tpu.memref_squeeze %dma_start3A_607 : memref<1x1x40x128xf32, #tpu.memory_space<vmem_shared>> -> memref<40x128xf32, #tpu.memory_space<vmem_shared>>
      %dma_start3A_609 = arith.constant 0 : i32
      %dma_start3A_610 = arith.constant 0 : i32
      %dma_start3A_611 = tpu.memref_slice %arg6[%arg1, %dma_start3A_604, %dma_start3A_609, %dma_start3A_610] : memref<16x6x40x128xf32, #tpu.memory_space<vmem_shared>> -> memref<1x1x40x128xf32, #tpu.memory_space<vmem_shared>>
      %dma_start3A_612 = tpu.memref_squeeze %dma_start3A_611 : memref<1x1x40x128xf32, #tpu.memory_space<vmem_shared>> -> memref<40x128xf32, #tpu.memory_space<vmem_shared>>
      tpu.enqueue_dma source(%arg10 : memref<40x128xf32, #tpu.memory_space<vmem>>) target(%dma_start3A_612 : memref<40x128xf32, #tpu.memory_space<vmem_shared>>) target_semaphore(%arg30 : memref<!tpu.dma_semaphore, #tpu.memory_space<semaphore_mem>>)
      %dma_wait3A_613 = arith.constant 3 : i32
      %dma_wait3A_614 = arith.constant 0 : i32
      %dma_wait3A_615 = arith.constant 0 : i32
      %dma_wait3A_616 = tpu.memref_slice %arg6[%arg1, %dma_wait3A_613, %dma_wait3A_614, %dma_wait3A_615] : memref<16x6x40x128xf32, #tpu.memory_space<vmem_shared>> -> memref<1x1x40x128xf32, #tpu.memory_space<vmem_shared>>
      %dma_wait3A_617 = tpu.memref_squeeze %dma_wait3A_616 : memref<1x1x40x128xf32, #tpu.memory_space<vmem_shared>> -> memref<40x128xf32, #tpu.memory_space<vmem_shared>>
      %dma_wait3A_618 = arith.constant 0 : i32
      %dma_wait3A_619 = arith.constant 0 : i32
      %dma_wait3A_620 = tpu.memref_slice %arg6[%arg1, %dma_wait3A_613, %dma_wait3A_618, %dma_wait3A_619] : memref<16x6x40x128xf32, #tpu.memory_space<vmem_shared>> -> memref<1x1x40x128xf32, #tpu.memory_space<vmem_shared>>
      %dma_wait3A_621 = tpu.memref_squeeze %dma_wait3A_620 : memref<1x1x40x128xf32, #tpu.memory_space<vmem_shared>> -> memref<40x128xf32, #tpu.memory_space<vmem_shared>>
      tpu.wait_dma2 semaphore(%arg30 : memref<!tpu.dma_semaphore, #tpu.memory_space<semaphore_mem>>) src(%arg10 : memref<40x128xf32, #tpu.memory_space<vmem>>) dst(%dma_wait3A_621 : memref<40x128xf32, #tpu.memory_space<vmem_shared>>)
      %mul3A_622 = arith.constant 40 : i32
      %mul3A_623 = arith.muli %add3A_587, %mul3A_622 : i32
      %add3A_624 = arith.addi %mul3A_2, %mul3A_623 : i32
      %dma_start3A_625 = arith.constant 3 : i32
      %dma_start3A_626 = arith.constant 0 : i32
      %dma_start3A_627 = tpu.memref_slice %arg4[%add3A_624, %dma_start3A_626] : memref<204800x128xf32, #tpu.memory_space<hbm>> -> memref<40x128xf32, #tpu.memory_space<hbm>>
      %dma_start3A_628 = arith.constant 0 : i32
      %dma_start3A_629 = arith.constant 0 : i32
      %dma_start3A_630 = tpu.memref_slice %arg6[%arg1, %dma_start3A_625, %dma_start3A_628, %dma_start3A_629] : memref<16x6x40x128xf32, #tpu.memory_space<vmem_shared>> -> memref<1x1x40x128xf32, #tpu.memory_space<vmem_shared>>
      %dma_start3A_631 = tpu.memref_squeeze %dma_start3A_630 : memref<1x1x40x128xf32, #tpu.memory_space<vmem_shared>> -> memref<40x128xf32, #tpu.memory_space<vmem_shared>>
      tpu.enqueue_dma source(%dma_start3A_631 : memref<40x128xf32, #tpu.memory_space<vmem_shared>>) target(%dma_start3A_627 : memref<40x128xf32, #tpu.memory_space<hbm>>) target_semaphore(%arg36 : memref<!tpu.dma_semaphore, #tpu.memory_space<semaphore_mem>>)
      %lt3A_632 = arith.constant 9 : i32
      %lt3A_633 = arith.cmpi slt, %scan3A_110, %lt3A_632 : i32
      %convert_element_type3A_634 = arith.extui %lt3A_633 : i1 to i32
      %cond3A_635 = arith.constant 0 : i32
      %cond3A_636 = arith.cmpi ne, %convert_element_type3A_634, %cond3A_635 : i32
      scf.if %cond3A_636 {
        %add3A_825 = arith.constant 16 : i32
        %add3A_826 = arith.addi %mul3A_112, %add3A_825 : i32
        %add3A_827 = arith.constant 5 : i32
        %add3A_828 = arith.addi %add3A_826, %add3A_827 : i32
        %mul3A_829 = arith.constant 40 : i32
        %mul3A_830 = arith.muli %add3A_828, %mul3A_829 : i32
        %dma_start3A_831 = tpu.memref_slice %arg5[%mul3A_830] : memref<6400xi32, #tpu.memory_space<vmem>> -> memref<40xi32, #tpu.memory_space<vmem>>
        %dma_start3A_832 = arith.constant 0 : i32
        %dma_start3A_833 = arith.constant 0 : i32
        %dma_start3A_834 = tpu.memref_slice %arg2[%dma_start3A_832, %dma_start3A_833] : memref<100000x128xf32, #tpu.memory_space<hbm>> -> memref<100000x128xf32, #tpu.memory_space<hbm>>
        tpu.enqueue_indirect_dma source(%dma_start3A_834 : memref<100000x128xf32, #tpu.memory_space<hbm>>) target(%arg10 : memref<40x128xf32, #tpu.memory_space<vmem>>) offsets(%dma_start3A_831 : memref<40xi32, #tpu.memory_space<vmem>>) semaphore(%arg20 : memref<!tpu.dma_semaphore, #tpu.memory_space<semaphore_mem>>)
      } else {
      }
      %add3A_637 = arith.constant 14 : i32
      %add3A_638 = arith.addi %mul3A_112, %add3A_637 : i32
      %mul3A_639 = arith.constant 40 : i32
      %mul3A_640 = arith.muli %add3A_638, %mul3A_639 : i32
      %dma_wait3A_641 = tpu.memref_slice %arg5[%mul3A_640] : memref<6400xi32, #tpu.memory_space<vmem>> -> memref<40xi32, #tpu.memory_space<vmem>>
      %dma_wait3A_642 = arith.constant 0 : i32
      %dma_wait3A_643 = arith.constant 0 : i32
      %dma_wait3A_644 = tpu.memref_slice %arg2[%dma_wait3A_642, %dma_wait3A_643] : memref<100000x128xf32, #tpu.memory_space<hbm>> -> memref<100000x128xf32, #tpu.memory_space<hbm>>
      tpu.wait_indirect_dma semaphore(%arg21 : memref<!tpu.dma_semaphore, #tpu.memory_space<semaphore_mem>>) src(%dma_wait3A_644 : memref<100000x128xf32, #tpu.memory_space<hbm>>) dst(%arg11 : memref<40x128xf32, #tpu.memory_space<vmem>>)
      %mul3A_645 = arith.constant 40 : i32
      %mul3A_646 = arith.muli %add3A_638, %mul3A_645 : i32
      %add3A_647 = arith.addi %mul3A_2, %mul3A_646 : i32
      %dma_wait3A_648 = arith.constant 4 : i32
      %dma_wait3A_649 = arith.constant 0 : i32
      %dma_wait3A_650 = tpu.memref_slice %arg4[%add3A_647, %dma_wait3A_649] : memref<204800x128xf32, #tpu.memory_space<hbm>> -> memref<40x128xf32, #tpu.memory_space<hbm>>
      %dma_wait3A_651 = arith.constant 0 : i32
      %dma_wait3A_652 = arith.constant 0 : i32
      %dma_wait3A_653 = tpu.memref_slice %arg6[%arg1, %dma_wait3A_648, %dma_wait3A_651, %dma_wait3A_652] : memref<16x6x40x128xf32, #tpu.memory_space<vmem_shared>> -> memref<1x1x40x128xf32, #tpu.memory_space<vmem_shared>>
      %dma_wait3A_654 = tpu.memref_squeeze %dma_wait3A_653 : memref<1x1x40x128xf32, #tpu.memory_space<vmem_shared>> -> memref<40x128xf32, #tpu.memory_space<vmem_shared>>
      tpu.wait_dma2 semaphore(%arg37 : memref<!tpu.dma_semaphore, #tpu.memory_space<semaphore_mem>>) src(%dma_wait3A_654 : memref<40x128xf32, #tpu.memory_space<vmem_shared>>) dst(%dma_wait3A_650 : memref<40x128xf32, #tpu.memory_space<hbm>>)
      %dma_start3A_655 = arith.constant 4 : i32
      %dma_start3A_656 = arith.constant 0 : i32
      %dma_start3A_657 = arith.constant 0 : i32
      %dma_start3A_658 = tpu.memref_slice %arg6[%arg1, %dma_start3A_655, %dma_start3A_656, %dma_start3A_657] : memref<16x6x40x128xf32, #tpu.memory_space<vmem_shared>> -> memref<1x1x40x128xf32, #tpu.memory_space<vmem_shared>>
      %dma_start3A_659 = tpu.memref_squeeze %dma_start3A_658 : memref<1x1x40x128xf32, #tpu.memory_space<vmem_shared>> -> memref<40x128xf32, #tpu.memory_space<vmem_shared>>
      %dma_start3A_660 = arith.constant 0 : i32
      %dma_start3A_661 = arith.constant 0 : i32
      %dma_start3A_662 = tpu.memref_slice %arg6[%arg1, %dma_start3A_655, %dma_start3A_660, %dma_start3A_661] : memref<16x6x40x128xf32, #tpu.memory_space<vmem_shared>> -> memref<1x1x40x128xf32, #tpu.memory_space<vmem_shared>>
      %dma_start3A_663 = tpu.memref_squeeze %dma_start3A_662 : memref<1x1x40x128xf32, #tpu.memory_space<vmem_shared>> -> memref<40x128xf32, #tpu.memory_space<vmem_shared>>
      tpu.enqueue_dma source(%arg11 : memref<40x128xf32, #tpu.memory_space<vmem>>) target(%dma_start3A_663 : memref<40x128xf32, #tpu.memory_space<vmem_shared>>) target_semaphore(%arg31 : memref<!tpu.dma_semaphore, #tpu.memory_space<semaphore_mem>>)
      %dma_wait3A_664 = arith.constant 4 : i32
      %dma_wait3A_665 = arith.constant 0 : i32
      %dma_wait3A_666 = arith.constant 0 : i32
      %dma_wait3A_667 = tpu.memref_slice %arg6[%arg1, %dma_wait3A_664, %dma_wait3A_665, %dma_wait3A_666] : memref<16x6x40x128xf32, #tpu.memory_space<vmem_shared>> -> memref<1x1x40x128xf32, #tpu.memory_space<vmem_shared>>
      %dma_wait3A_668 = tpu.memref_squeeze %dma_wait3A_667 : memref<1x1x40x128xf32, #tpu.memory_space<vmem_shared>> -> memref<40x128xf32, #tpu.memory_space<vmem_shared>>
      %dma_wait3A_669 = arith.constant 0 : i32
      %dma_wait3A_670 = arith.constant 0 : i32
      %dma_wait3A_671 = tpu.memref_slice %arg6[%arg1, %dma_wait3A_664, %dma_wait3A_669, %dma_wait3A_670] : memref<16x6x40x128xf32, #tpu.memory_space<vmem_shared>> -> memref<1x1x40x128xf32, #tpu.memory_space<vmem_shared>>
      %dma_wait3A_672 = tpu.memref_squeeze %dma_wait3A_671 : memref<1x1x40x128xf32, #tpu.memory_space<vmem_shared>> -> memref<40x128xf32, #tpu.memory_space<vmem_shared>>
      tpu.wait_dma2 semaphore(%arg31 : memref<!tpu.dma_semaphore, #tpu.memory_space<semaphore_mem>>) src(%arg11 : memref<40x128xf32, #tpu.memory_space<vmem>>) dst(%dma_wait3A_672 : memref<40x128xf32, #tpu.memory_space<vmem_shared>>)
      %mul3A_673 = arith.constant 40 : i32
      %mul3A_674 = arith.muli %add3A_638, %mul3A_673 : i32
      %add3A_675 = arith.addi %mul3A_2, %mul3A_674 : i32
      %dma_start3A_676 = arith.constant 4 : i32
      %dma_start3A_677 = arith.constant 0 : i32
      %dma_start3A_678 = tpu.memref_slice %arg4[%add3A_675, %dma_start3A_677] : memref<204800x128xf32, #tpu.memory_space<hbm>> -> memref<40x128xf32, #tpu.memory_space<hbm>>
      %dma_start3A_679 = arith.constant 0 : i32
      %dma_start3A_680 = arith.constant 0 : i32
      %dma_start3A_681 = tpu.memref_slice %arg6[%arg1, %dma_start3A_676, %dma_start3A_679, %dma_start3A_680] : memref<16x6x40x128xf32, #tpu.memory_space<vmem_shared>> -> memref<1x1x40x128xf32, #tpu.memory_space<vmem_shared>>
      %dma_start3A_682 = tpu.memref_squeeze %dma_start3A_681 : memref<1x1x40x128xf32, #tpu.memory_space<vmem_shared>> -> memref<40x128xf32, #tpu.memory_space<vmem_shared>>
      tpu.enqueue_dma source(%dma_start3A_682 : memref<40x128xf32, #tpu.memory_space<vmem_shared>>) target(%dma_start3A_678 : memref<40x128xf32, #tpu.memory_space<hbm>>) target_semaphore(%arg37 : memref<!tpu.dma_semaphore, #tpu.memory_space<semaphore_mem>>)
      %lt3A_683 = arith.constant 9 : i32
      %lt3A_684 = arith.cmpi slt, %scan3A_110, %lt3A_683 : i32
      %convert_element_type3A_685 = arith.extui %lt3A_684 : i1 to i32
      %cond3A_686 = arith.constant 0 : i32
      %cond3A_687 = arith.cmpi ne, %convert_element_type3A_685, %cond3A_686 : i32
      scf.if %cond3A_687 {
        %add3A_825 = arith.constant 16 : i32
        %add3A_826 = arith.addi %mul3A_112, %add3A_825 : i32
        %add3A_827 = arith.constant 6 : i32
        %add3A_828 = arith.addi %add3A_826, %add3A_827 : i32
        %mul3A_829 = arith.constant 40 : i32
        %mul3A_830 = arith.muli %add3A_828, %mul3A_829 : i32
        %dma_start3A_831 = tpu.memref_slice %arg5[%mul3A_830] : memref<6400xi32, #tpu.memory_space<vmem>> -> memref<40xi32, #tpu.memory_space<vmem>>
        %dma_start3A_832 = arith.constant 0 : i32
        %dma_start3A_833 = arith.constant 0 : i32
        %dma_start3A_834 = tpu.memref_slice %arg2[%dma_start3A_832, %dma_start3A_833] : memref<100000x128xf32, #tpu.memory_space<hbm>> -> memref<100000x128xf32, #tpu.memory_space<hbm>>
        tpu.enqueue_indirect_dma source(%dma_start3A_834 : memref<100000x128xf32, #tpu.memory_space<hbm>>) target(%arg11 : memref<40x128xf32, #tpu.memory_space<vmem>>) offsets(%dma_start3A_831 : memref<40xi32, #tpu.memory_space<vmem>>) semaphore(%arg21 : memref<!tpu.dma_semaphore, #tpu.memory_space<semaphore_mem>>)
      } else {
      }
      %add3A_688 = arith.constant 15 : i32
      %add3A_689 = arith.addi %mul3A_112, %add3A_688 : i32
      %mul3A_690 = arith.constant 40 : i32
      %mul3A_691 = arith.muli %add3A_689, %mul3A_690 : i32
      %dma_wait3A_692 = tpu.memref_slice %arg5[%mul3A_691] : memref<6400xi32, #tpu.memory_space<vmem>> -> memref<40xi32, #tpu.memory_space<vmem>>
      %dma_wait3A_693 = arith.constant 0 : i32
      %dma_wait3A_694 = arith.constant 0 : i32
      %dma_wait3A_695 = tpu.memref_slice %arg2[%dma_wait3A_693, %dma_wait3A_694] : memref<100000x128xf32, #tpu.memory_space<hbm>> -> memref<100000x128xf32, #tpu.memory_space<hbm>>
      tpu.wait_indirect_dma semaphore(%arg22 : memref<!tpu.dma_semaphore, #tpu.memory_space<semaphore_mem>>) src(%dma_wait3A_695 : memref<100000x128xf32, #tpu.memory_space<hbm>>) dst(%arg12 : memref<40x128xf32, #tpu.memory_space<vmem>>)
      %mul3A_696 = arith.constant 40 : i32
      %mul3A_697 = arith.muli %add3A_689, %mul3A_696 : i32
      %add3A_698 = arith.addi %mul3A_2, %mul3A_697 : i32
      %dma_wait3A_699 = arith.constant 5 : i32
      %dma_wait3A_700 = arith.constant 0 : i32
      %dma_wait3A_701 = tpu.memref_slice %arg4[%add3A_698, %dma_wait3A_700] : memref<204800x128xf32, #tpu.memory_space<hbm>> -> memref<40x128xf32, #tpu.memory_space<hbm>>
      %dma_wait3A_702 = arith.constant 0 : i32
      %dma_wait3A_703 = arith.constant 0 : i32
      %dma_wait3A_704 = tpu.memref_slice %arg6[%arg1, %dma_wait3A_699, %dma_wait3A_702, %dma_wait3A_703] : memref<16x6x40x128xf32, #tpu.memory_space<vmem_shared>> -> memref<1x1x40x128xf32, #tpu.memory_space<vmem_shared>>
      %dma_wait3A_705 = tpu.memref_squeeze %dma_wait3A_704 : memref<1x1x40x128xf32, #tpu.memory_space<vmem_shared>> -> memref<40x128xf32, #tpu.memory_space<vmem_shared>>
      tpu.wait_dma2 semaphore(%arg38 : memref<!tpu.dma_semaphore, #tpu.memory_space<semaphore_mem>>) src(%dma_wait3A_705 : memref<40x128xf32, #tpu.memory_space<vmem_shared>>) dst(%dma_wait3A_701 : memref<40x128xf32, #tpu.memory_space<hbm>>)
      %dma_start3A_706 = arith.constant 5 : i32
      %dma_start3A_707 = arith.constant 0 : i32
      %dma_start3A_708 = arith.constant 0 : i32
      %dma_start3A_709 = tpu.memref_slice %arg6[%arg1, %dma_start3A_706, %dma_start3A_707, %dma_start3A_708] : memref<16x6x40x128xf32, #tpu.memory_space<vmem_shared>> -> memref<1x1x40x128xf32, #tpu.memory_space<vmem_shared>>
      %dma_start3A_710 = tpu.memref_squeeze %dma_start3A_709 : memref<1x1x40x128xf32, #tpu.memory_space<vmem_shared>> -> memref<40x128xf32, #tpu.memory_space<vmem_shared>>
      %dma_start3A_711 = arith.constant 0 : i32
      %dma_start3A_712 = arith.constant 0 : i32
      %dma_start3A_713 = tpu.memref_slice %arg6[%arg1, %dma_start3A_706, %dma_start3A_711, %dma_start3A_712] : memref<16x6x40x128xf32, #tpu.memory_space<vmem_shared>> -> memref<1x1x40x128xf32, #tpu.memory_space<vmem_shared>>
      %dma_start3A_714 = tpu.memref_squeeze %dma_start3A_713 : memref<1x1x40x128xf32, #tpu.memory_space<vmem_shared>> -> memref<40x128xf32, #tpu.memory_space<vmem_shared>>
      tpu.enqueue_dma source(%arg12 : memref<40x128xf32, #tpu.memory_space<vmem>>) target(%dma_start3A_714 : memref<40x128xf32, #tpu.memory_space<vmem_shared>>) target_semaphore(%arg32 : memref<!tpu.dma_semaphore, #tpu.memory_space<semaphore_mem>>)
      %dma_wait3A_715 = arith.constant 5 : i32
      %dma_wait3A_716 = arith.constant 0 : i32
      %dma_wait3A_717 = arith.constant 0 : i32
      %dma_wait3A_718 = tpu.memref_slice %arg6[%arg1, %dma_wait3A_715, %dma_wait3A_716, %dma_wait3A_717] : memref<16x6x40x128xf32, #tpu.memory_space<vmem_shared>> -> memref<1x1x40x128xf32, #tpu.memory_space<vmem_shared>>
      %dma_wait3A_719 = tpu.memref_squeeze %dma_wait3A_718 : memref<1x1x40x128xf32, #tpu.memory_space<vmem_shared>> -> memref<40x128xf32, #tpu.memory_space<vmem_shared>>
      %dma_wait3A_720 = arith.constant 0 : i32
      %dma_wait3A_721 = arith.constant 0 : i32
      %dma_wait3A_722 = tpu.memref_slice %arg6[%arg1, %dma_wait3A_715, %dma_wait3A_720, %dma_wait3A_721] : memref<16x6x40x128xf32, #tpu.memory_space<vmem_shared>> -> memref<1x1x40x128xf32, #tpu.memory_space<vmem_shared>>
      %dma_wait3A_723 = tpu.memref_squeeze %dma_wait3A_722 : memref<1x1x40x128xf32, #tpu.memory_space<vmem_shared>> -> memref<40x128xf32, #tpu.memory_space<vmem_shared>>
      tpu.wait_dma2 semaphore(%arg32 : memref<!tpu.dma_semaphore, #tpu.memory_space<semaphore_mem>>) src(%arg12 : memref<40x128xf32, #tpu.memory_space<vmem>>) dst(%dma_wait3A_723 : memref<40x128xf32, #tpu.memory_space<vmem_shared>>)
      %mul3A_724 = arith.constant 40 : i32
      %mul3A_725 = arith.muli %add3A_689, %mul3A_724 : i32
      %add3A_726 = arith.addi %mul3A_2, %mul3A_725 : i32
      %dma_start3A_727 = arith.constant 5 : i32
      %dma_start3A_728 = arith.constant 0 : i32
      %dma_start3A_729 = tpu.memref_slice %arg4[%add3A_726, %dma_start3A_728] : memref<204800x128xf32, #tpu.memory_space<hbm>> -> memref<40x128xf32, #tpu.memory_space<hbm>>
      %dma_start3A_730 = arith.constant 0 : i32
      %dma_start3A_731 = arith.constant 0 : i32
      %dma_start3A_732 = tpu.memref_slice %arg6[%arg1, %dma_start3A_727, %dma_start3A_730, %dma_start3A_731] : memref<16x6x40x128xf32, #tpu.memory_space<vmem_shared>> -> memref<1x1x40x128xf32, #tpu.memory_space<vmem_shared>>
      %dma_start3A_733 = tpu.memref_squeeze %dma_start3A_732 : memref<1x1x40x128xf32, #tpu.memory_space<vmem_shared>> -> memref<40x128xf32, #tpu.memory_space<vmem_shared>>
      tpu.enqueue_dma source(%dma_start3A_733 : memref<40x128xf32, #tpu.memory_space<vmem_shared>>) target(%dma_start3A_729 : memref<40x128xf32, #tpu.memory_space<hbm>>) target_semaphore(%arg38 : memref<!tpu.dma_semaphore, #tpu.memory_space<semaphore_mem>>)
      %lt3A_734 = arith.constant 9 : i32
      %lt3A_735 = arith.cmpi slt, %scan3A_110, %lt3A_734 : i32
      %convert_element_type3A_736 = arith.extui %lt3A_735 : i1 to i32
      %cond3A_737 = arith.constant 0 : i32
      %cond3A_738 = arith.cmpi ne, %convert_element_type3A_736, %cond3A_737 : i32
      scf.if %cond3A_738 {
        %add3A_825 = arith.constant 16 : i32
        %add3A_826 = arith.addi %mul3A_112, %add3A_825 : i32
        %add3A_827 = arith.constant 7 : i32
        %add3A_828 = arith.addi %add3A_826, %add3A_827 : i32
        %mul3A_829 = arith.constant 40 : i32
        %mul3A_830 = arith.muli %add3A_828, %mul3A_829 : i32
        %dma_start3A_831 = tpu.memref_slice %arg5[%mul3A_830] : memref<6400xi32, #tpu.memory_space<vmem>> -> memref<40xi32, #tpu.memory_space<vmem>>
        %dma_start3A_832 = arith.constant 0 : i32
        %dma_start3A_833 = arith.constant 0 : i32
        %dma_start3A_834 = tpu.memref_slice %arg2[%dma_start3A_832, %dma_start3A_833] : memref<100000x128xf32, #tpu.memory_space<hbm>> -> memref<100000x128xf32, #tpu.memory_space<hbm>>
        tpu.enqueue_indirect_dma source(%dma_start3A_834 : memref<100000x128xf32, #tpu.memory_space<hbm>>) target(%arg12 : memref<40x128xf32, #tpu.memory_space<vmem>>) offsets(%dma_start3A_831 : memref<40xi32, #tpu.memory_space<vmem>>) semaphore(%arg22 : memref<!tpu.dma_semaphore, #tpu.memory_space<semaphore_mem>>)
      } else {
      }
      %add3A_739 = arith.constant 8 : i32
      %add3A_740 = arith.addi %mul3A_112, %add3A_739 : i32
      %mul3A_741 = arith.constant 40 : i32
      %mul3A_742 = arith.muli %add3A_740, %mul3A_741 : i32
      %dma_wait3A_743 = tpu.memref_slice %arg5[%mul3A_742] : memref<6400xi32, #tpu.memory_space<vmem>> -> memref<40xi32, #tpu.memory_space<vmem>>
      %dma_wait3A_744 = arith.constant 0 : i32
      %dma_wait3A_745 = arith.constant 0 : i32
      %dma_wait3A_746 = tpu.memref_slice %arg2[%dma_wait3A_744, %dma_wait3A_745] : memref<100000x128xf32, #tpu.memory_space<hbm>> -> memref<100000x128xf32, #tpu.memory_space<hbm>>
      tpu.wait_indirect_dma semaphore(%arg25 : memref<!tpu.dma_semaphore, #tpu.memory_space<semaphore_mem>>) src(%dma_wait3A_746 : memref<100000x128xf32, #tpu.memory_space<hbm>>) dst(%arg15 : memref<40x128xf32, #tpu.memory_space<vmem>>)
      %mul3A_747 = arith.constant 40 : i32
      %mul3A_748 = arith.muli %add3A_740, %mul3A_747 : i32
      %add3A_749 = arith.addi %mul3A_2, %mul3A_748 : i32
      %dma_start3A_750 = arith.constant 0 : i32
      %dma_start3A_751 = tpu.memref_slice %arg4[%add3A_749, %dma_start3A_750] : memref<204800x128xf32, #tpu.memory_space<hbm>> -> memref<40x128xf32, #tpu.memory_space<hbm>>
      %dma_start3A_752 = arith.constant 0 : i32
      %dma_start3A_753 = tpu.memref_slice %arg4[%add3A_749, %dma_start3A_752] : memref<204800x128xf32, #tpu.memory_space<hbm>> -> memref<40x128xf32, #tpu.memory_space<hbm>>
      tpu.enqueue_dma source(%arg15 : memref<40x128xf32, #tpu.memory_space<vmem>>) target(%dma_start3A_753 : memref<40x128xf32, #tpu.memory_space<hbm>>) target_semaphore(%arg41 : memref<!tpu.dma_semaphore, #tpu.memory_space<semaphore_mem>>)
      %add3A_754 = arith.constant 12 : i32
      %add3A_755 = arith.addi %mul3A_112, %add3A_754 : i32
      %mul3A_756 = arith.constant 40 : i32
      %mul3A_757 = arith.muli %add3A_755, %mul3A_756 : i32
      %dma_wait3A_758 = tpu.memref_slice %arg5[%mul3A_757] : memref<6400xi32, #tpu.memory_space<vmem>> -> memref<40xi32, #tpu.memory_space<vmem>>
      %dma_wait3A_759 = arith.constant 0 : i32
      %dma_wait3A_760 = arith.constant 0 : i32
      %dma_wait3A_761 = tpu.memref_slice %arg2[%dma_wait3A_759, %dma_wait3A_760] : memref<100000x128xf32, #tpu.memory_space<hbm>> -> memref<100000x128xf32, #tpu.memory_space<hbm>>
      tpu.wait_indirect_dma semaphore(%arg26 : memref<!tpu.dma_semaphore, #tpu.memory_space<semaphore_mem>>) src(%dma_wait3A_761 : memref<100000x128xf32, #tpu.memory_space<hbm>>) dst(%arg16 : memref<40x128xf32, #tpu.memory_space<vmem>>)
      %mul3A_762 = arith.constant 40 : i32
      %mul3A_763 = arith.muli %add3A_755, %mul3A_762 : i32
      %add3A_764 = arith.addi %mul3A_2, %mul3A_763 : i32
      %dma_start3A_765 = arith.constant 0 : i32
      %dma_start3A_766 = tpu.memref_slice %arg4[%add3A_764, %dma_start3A_765] : memref<204800x128xf32, #tpu.memory_space<hbm>> -> memref<40x128xf32, #tpu.memory_space<hbm>>
      %dma_start3A_767 = arith.constant 0 : i32
      %dma_start3A_768 = tpu.memref_slice %arg4[%add3A_764, %dma_start3A_767] : memref<204800x128xf32, #tpu.memory_space<hbm>> -> memref<40x128xf32, #tpu.memory_space<hbm>>
      tpu.enqueue_dma source(%arg16 : memref<40x128xf32, #tpu.memory_space<vmem>>) target(%dma_start3A_768 : memref<40x128xf32, #tpu.memory_space<hbm>>) target_semaphore(%arg42 : memref<!tpu.dma_semaphore, #tpu.memory_space<semaphore_mem>>)
      %add3A_769 = arith.constant 0 : i32
      %add3A_770 = arith.addi %mul3A_112, %add3A_769 : i32
      %mul3A_771 = arith.constant 40 : i32
      %mul3A_772 = arith.muli %add3A_770, %mul3A_771 : i32
      %add3A_773 = arith.addi %mul3A_2, %mul3A_772 : i32
      %dma_wait3A_774 = arith.constant 0 : i32
      %dma_wait3A_775 = tpu.memref_slice %arg4[%add3A_773, %dma_wait3A_774] : memref<204800x128xf32, #tpu.memory_space<hbm>> -> memref<40x128xf32, #tpu.memory_space<hbm>>
      %dma_wait3A_776 = arith.constant 0 : i32
      %dma_wait3A_777 = tpu.memref_slice %arg4[%add3A_773, %dma_wait3A_776] : memref<204800x128xf32, #tpu.memory_space<hbm>> -> memref<40x128xf32, #tpu.memory_space<hbm>>
      tpu.wait_dma2 semaphore(%arg39 : memref<!tpu.dma_semaphore, #tpu.memory_space<semaphore_mem>>) src(%arg13 : memref<40x128xf32, #tpu.memory_space<vmem>>) dst(%dma_wait3A_777 : memref<40x128xf32, #tpu.memory_space<hbm>>)
      %lt3A_778 = arith.constant 9 : i32
      %lt3A_779 = arith.cmpi slt, %scan3A_110, %lt3A_778 : i32
      %convert_element_type3A_780 = arith.extui %lt3A_779 : i1 to i32
      %cond3A_781 = arith.constant 0 : i32
      %cond3A_782 = arith.cmpi ne, %convert_element_type3A_780, %cond3A_781 : i32
      scf.if %cond3A_782 {
        %add3A_825 = arith.constant 16 : i32
        %add3A_826 = arith.addi %mul3A_112, %add3A_825 : i32
        %add3A_827 = arith.constant 0 : i32
        %add3A_828 = arith.addi %add3A_826, %add3A_827 : i32
        %mul3A_829 = arith.constant 40 : i32
        %mul3A_830 = arith.muli %add3A_828, %mul3A_829 : i32
        %dma_start3A_831 = tpu.memref_slice %arg5[%mul3A_830] : memref<6400xi32, #tpu.memory_space<vmem>> -> memref<40xi32, #tpu.memory_space<vmem>>
        %dma_start3A_832 = arith.constant 0 : i32
        %dma_start3A_833 = arith.constant 0 : i32
        %dma_start3A_834 = tpu.memref_slice %arg2[%dma_start3A_832, %dma_start3A_833] : memref<100000x128xf32, #tpu.memory_space<hbm>> -> memref<100000x128xf32, #tpu.memory_space<hbm>>
        tpu.enqueue_indirect_dma source(%dma_start3A_834 : memref<100000x128xf32, #tpu.memory_space<hbm>>) target(%arg13 : memref<40x128xf32, #tpu.memory_space<vmem>>) offsets(%dma_start3A_831 : memref<40xi32, #tpu.memory_space<vmem>>) semaphore(%arg23 : memref<!tpu.dma_semaphore, #tpu.memory_space<semaphore_mem>>)
      } else {
      }
      %add3A_783 = arith.constant 4 : i32
      %add3A_784 = arith.addi %mul3A_112, %add3A_783 : i32
      %mul3A_785 = arith.constant 40 : i32
      %mul3A_786 = arith.muli %add3A_784, %mul3A_785 : i32
      %add3A_787 = arith.addi %mul3A_2, %mul3A_786 : i32
      %dma_wait3A_788 = arith.constant 0 : i32
      %dma_wait3A_789 = tpu.memref_slice %arg4[%add3A_787, %dma_wait3A_788] : memref<204800x128xf32, #tpu.memory_space<hbm>> -> memref<40x128xf32, #tpu.memory_space<hbm>>
      %dma_wait3A_790 = arith.constant 0 : i32
      %dma_wait3A_791 = tpu.memref_slice %arg4[%add3A_787, %dma_wait3A_790] : memref<204800x128xf32, #tpu.memory_space<hbm>> -> memref<40x128xf32, #tpu.memory_space<hbm>>
      tpu.wait_dma2 semaphore(%arg40 : memref<!tpu.dma_semaphore, #tpu.memory_space<semaphore_mem>>) src(%arg14 : memref<40x128xf32, #tpu.memory_space<vmem>>) dst(%dma_wait3A_791 : memref<40x128xf32, #tpu.memory_space<hbm>>)
      %lt3A_792 = arith.constant 9 : i32
      %lt3A_793 = arith.cmpi slt, %scan3A_110, %lt3A_792 : i32
      %convert_element_type3A_794 = arith.extui %lt3A_793 : i1 to i32
      %cond3A_795 = arith.constant 0 : i32
      %cond3A_796 = arith.cmpi ne, %convert_element_type3A_794, %cond3A_795 : i32
      scf.if %cond3A_796 {
        %add3A_825 = arith.constant 16 : i32
        %add3A_826 = arith.addi %mul3A_112, %add3A_825 : i32
        %add3A_827 = arith.constant 4 : i32
        %add3A_828 = arith.addi %add3A_826, %add3A_827 : i32
        %mul3A_829 = arith.constant 40 : i32
        %mul3A_830 = arith.muli %add3A_828, %mul3A_829 : i32
        %dma_start3A_831 = tpu.memref_slice %arg5[%mul3A_830] : memref<6400xi32, #tpu.memory_space<vmem>> -> memref<40xi32, #tpu.memory_space<vmem>>
        %dma_start3A_832 = arith.constant 0 : i32
        %dma_start3A_833 = arith.constant 0 : i32
        %dma_start3A_834 = tpu.memref_slice %arg2[%dma_start3A_832, %dma_start3A_833] : memref<100000x128xf32, #tpu.memory_space<hbm>> -> memref<100000x128xf32, #tpu.memory_space<hbm>>
        tpu.enqueue_indirect_dma source(%dma_start3A_834 : memref<100000x128xf32, #tpu.memory_space<hbm>>) target(%arg14 : memref<40x128xf32, #tpu.memory_space<vmem>>) offsets(%dma_start3A_831 : memref<40xi32, #tpu.memory_space<vmem>>) semaphore(%arg24 : memref<!tpu.dma_semaphore, #tpu.memory_space<semaphore_mem>>)
      } else {
      }
      %add3A_797 = arith.constant 8 : i32
      %add3A_798 = arith.addi %mul3A_112, %add3A_797 : i32
      %mul3A_799 = arith.constant 40 : i32
      %mul3A_800 = arith.muli %add3A_798, %mul3A_799 : i32
      %add3A_801 = arith.addi %mul3A_2, %mul3A_800 : i32
      %dma_wait3A_802 = arith.constant 0 : i32
      %dma_wait3A_803 = tpu.memref_slice %arg4[%add3A_801, %dma_wait3A_802] : memref<204800x128xf32, #tpu.memory_space<hbm>> -> memref<40x128xf32, #tpu.memory_space<hbm>>
      %dma_wait3A_804 = arith.constant 0 : i32
      %dma_wait3A_805 = tpu.memref_slice %arg4[%add3A_801, %dma_wait3A_804] : memref<204800x128xf32, #tpu.memory_space<hbm>> -> memref<40x128xf32, #tpu.memory_space<hbm>>
      tpu.wait_dma2 semaphore(%arg41 : memref<!tpu.dma_semaphore, #tpu.memory_space<semaphore_mem>>) src(%arg15 : memref<40x128xf32, #tpu.memory_space<vmem>>) dst(%dma_wait3A_805 : memref<40x128xf32, #tpu.memory_space<hbm>>)
      %lt3A_806 = arith.constant 9 : i32
      %lt3A_807 = arith.cmpi slt, %scan3A_110, %lt3A_806 : i32
      %convert_element_type3A_808 = arith.extui %lt3A_807 : i1 to i32
      %cond3A_809 = arith.constant 0 : i32
      %cond3A_810 = arith.cmpi ne, %convert_element_type3A_808, %cond3A_809 : i32
      scf.if %cond3A_810 {
        %add3A_825 = arith.constant 16 : i32
        %add3A_826 = arith.addi %mul3A_112, %add3A_825 : i32
        %add3A_827 = arith.constant 8 : i32
        %add3A_828 = arith.addi %add3A_826, %add3A_827 : i32
        %mul3A_829 = arith.constant 40 : i32
        %mul3A_830 = arith.muli %add3A_828, %mul3A_829 : i32
        %dma_start3A_831 = tpu.memref_slice %arg5[%mul3A_830] : memref<6400xi32, #tpu.memory_space<vmem>> -> memref<40xi32, #tpu.memory_space<vmem>>
        %dma_start3A_832 = arith.constant 0 : i32
        %dma_start3A_833 = arith.constant 0 : i32
        %dma_start3A_834 = tpu.memref_slice %arg2[%dma_start3A_832, %dma_start3A_833] : memref<100000x128xf32, #tpu.memory_space<hbm>> -> memref<100000x128xf32, #tpu.memory_space<hbm>>
        tpu.enqueue_indirect_dma source(%dma_start3A_834 : memref<100000x128xf32, #tpu.memory_space<hbm>>) target(%arg15 : memref<40x128xf32, #tpu.memory_space<vmem>>) offsets(%dma_start3A_831 : memref<40xi32, #tpu.memory_space<vmem>>) semaphore(%arg25 : memref<!tpu.dma_semaphore, #tpu.memory_space<semaphore_mem>>)
      } else {
      }
      %add3A_811 = arith.constant 12 : i32
      %add3A_812 = arith.addi %mul3A_112, %add3A_811 : i32
      %mul3A_813 = arith.constant 40 : i32
      %mul3A_814 = arith.muli %add3A_812, %mul3A_813 : i32
      %add3A_815 = arith.addi %mul3A_2, %mul3A_814 : i32
      %dma_wait3A_816 = arith.constant 0 : i32
      %dma_wait3A_817 = tpu.memref_slice %arg4[%add3A_815, %dma_wait3A_816] : memref<204800x128xf32, #tpu.memory_space<hbm>> -> memref<40x128xf32, #tpu.memory_space<hbm>>
      %dma_wait3A_818 = arith.constant 0 : i32
      %dma_wait3A_819 = tpu.memref_slice %arg4[%add3A_815, %dma_wait3A_818] : memref<204800x128xf32, #tpu.memory_space<hbm>> -> memref<40x128xf32, #tpu.memory_space<hbm>>
      tpu.wait_dma2 semaphore(%arg42 : memref<!tpu.dma_semaphore, #tpu.memory_space<semaphore_mem>>) src(%arg16 : memref<40x128xf32, #tpu.memory_space<vmem>>) dst(%dma_wait3A_819 : memref<40x128xf32, #tpu.memory_space<hbm>>)
      %lt3A_820 = arith.constant 9 : i32
      %lt3A_821 = arith.cmpi slt, %scan3A_110, %lt3A_820 : i32
      %convert_element_type3A_822 = arith.extui %lt3A_821 : i1 to i32
      %cond3A_823 = arith.constant 0 : i32
      %cond3A_824 = arith.cmpi ne, %convert_element_type3A_822, %cond3A_823 : i32
      scf.if %cond3A_824 {
        %add3A_825 = arith.constant 16 : i32
        %add3A_826 = arith.addi %mul3A_112, %add3A_825 : i32
        %add3A_827 = arith.constant 12 : i32
        %add3A_828 = arith.addi %add3A_826, %add3A_827 : i32
        %mul3A_829 = arith.constant 40 : i32
        %mul3A_830 = arith.muli %add3A_828, %mul3A_829 : i32
        %dma_start3A_831 = tpu.memref_slice %arg5[%mul3A_830] : memref<6400xi32, #tpu.memory_space<vmem>> -> memref<40xi32, #tpu.memory_space<vmem>>
        %dma_start3A_832 = arith.constant 0 : i32
        %dma_start3A_833 = arith.constant 0 : i32
        %dma_start3A_834 = tpu.memref_slice %arg2[%dma_start3A_832, %dma_start3A_833] : memref<100000x128xf32, #tpu.memory_space<hbm>> -> memref<100000x128xf32, #tpu.memory_space<hbm>>
        tpu.enqueue_indirect_dma source(%dma_start3A_834 : memref<100000x128xf32, #tpu.memory_space<hbm>>) target(%arg16 : memref<40x128xf32, #tpu.memory_space<vmem>>) offsets(%dma_start3A_831 : memref<40xi32, #tpu.memory_space<vmem>>) semaphore(%arg26 : memref<!tpu.dma_semaphore, #tpu.memory_space<semaphore_mem>>)
      } else {
      }
    }
    %scan3A_56 = arith.constant 10 : i32
    %add3A_57 = arith.constant 6120 : i32
    %add3A_58 = arith.addi %mul3A_2, %add3A_57 : i32
    %dma_wait3A = arith.constant 0 : i32
    %dma_wait3A_59 = arith.constant 0 : i32
    %dma_wait3A_60 = tpu.memref_slice %arg4[%add3A_58, %dma_wait3A_59] : memref<204800x128xf32, #tpu.memory_space<hbm>> -> memref<40x128xf32, #tpu.memory_space<hbm>>
    %dma_wait3A_61 = arith.constant 0 : i32
    %dma_wait3A_62 = arith.constant 0 : i32
    %dma_wait3A_63 = tpu.memref_slice %arg6[%arg1, %dma_wait3A, %dma_wait3A_61, %dma_wait3A_62] : memref<16x6x40x128xf32, #tpu.memory_space<vmem_shared>> -> memref<1x1x40x128xf32, #tpu.memory_space<vmem_shared>>
    %dma_wait3A_64 = tpu.memref_squeeze %dma_wait3A_63 : memref<1x1x40x128xf32, #tpu.memory_space<vmem_shared>> -> memref<40x128xf32, #tpu.memory_space<vmem_shared>>
    tpu.wait_dma2 semaphore(%arg33 : memref<!tpu.dma_semaphore, #tpu.memory_space<semaphore_mem>>) src(%dma_wait3A_64 : memref<40x128xf32, #tpu.memory_space<vmem_shared>>) dst(%dma_wait3A_60 : memref<40x128xf32, #tpu.memory_space<hbm>>)
    %add3A_65 = arith.constant 6160 : i32
    %add3A_66 = arith.addi %mul3A_2, %add3A_65 : i32
    %dma_wait3A_67 = arith.constant 1 : i32
    %dma_wait3A_68 = arith.constant 0 : i32
    %dma_wait3A_69 = tpu.memref_slice %arg4[%add3A_66, %dma_wait3A_68] : memref<204800x128xf32, #tpu.memory_space<hbm>> -> memref<40x128xf32, #tpu.memory_space<hbm>>
    %dma_wait3A_70 = arith.constant 0 : i32
    %dma_wait3A_71 = arith.constant 0 : i32
    %dma_wait3A_72 = tpu.memref_slice %arg6[%arg1, %dma_wait3A_67, %dma_wait3A_70, %dma_wait3A_71] : memref<16x6x40x128xf32, #tpu.memory_space<vmem_shared>> -> memref<1x1x40x128xf32, #tpu.memory_space<vmem_shared>>
    %dma_wait3A_73 = tpu.memref_squeeze %dma_wait3A_72 : memref<1x1x40x128xf32, #tpu.memory_space<vmem_shared>> -> memref<40x128xf32, #tpu.memory_space<vmem_shared>>
    tpu.wait_dma2 semaphore(%arg34 : memref<!tpu.dma_semaphore, #tpu.memory_space<semaphore_mem>>) src(%dma_wait3A_73 : memref<40x128xf32, #tpu.memory_space<vmem_shared>>) dst(%dma_wait3A_69 : memref<40x128xf32, #tpu.memory_space<hbm>>)
    %add3A_74 = arith.constant 6200 : i32
    %add3A_75 = arith.addi %mul3A_2, %add3A_74 : i32
    %dma_wait3A_76 = arith.constant 2 : i32
    %dma_wait3A_77 = arith.constant 0 : i32
    %dma_wait3A_78 = tpu.memref_slice %arg4[%add3A_75, %dma_wait3A_77] : memref<204800x128xf32, #tpu.memory_space<hbm>> -> memref<40x128xf32, #tpu.memory_space<hbm>>
    %dma_wait3A_79 = arith.constant 0 : i32
    %dma_wait3A_80 = arith.constant 0 : i32
    %dma_wait3A_81 = tpu.memref_slice %arg6[%arg1, %dma_wait3A_76, %dma_wait3A_79, %dma_wait3A_80] : memref<16x6x40x128xf32, #tpu.memory_space<vmem_shared>> -> memref<1x1x40x128xf32, #tpu.memory_space<vmem_shared>>
    %dma_wait3A_82 = tpu.memref_squeeze %dma_wait3A_81 : memref<1x1x40x128xf32, #tpu.memory_space<vmem_shared>> -> memref<40x128xf32, #tpu.memory_space<vmem_shared>>
    tpu.wait_dma2 semaphore(%arg35 : memref<!tpu.dma_semaphore, #tpu.memory_space<semaphore_mem>>) src(%dma_wait3A_82 : memref<40x128xf32, #tpu.memory_space<vmem_shared>>) dst(%dma_wait3A_78 : memref<40x128xf32, #tpu.memory_space<hbm>>)
    %add3A_83 = arith.constant 6280 : i32
    %add3A_84 = arith.addi %mul3A_2, %add3A_83 : i32
    %dma_wait3A_85 = arith.constant 3 : i32
    %dma_wait3A_86 = arith.constant 0 : i32
    %dma_wait3A_87 = tpu.memref_slice %arg4[%add3A_84, %dma_wait3A_86] : memref<204800x128xf32, #tpu.memory_space<hbm>> -> memref<40x128xf32, #tpu.memory_space<hbm>>
    %dma_wait3A_88 = arith.constant 0 : i32
    %dma_wait3A_89 = arith.constant 0 : i32
    %dma_wait3A_90 = tpu.memref_slice %arg6[%arg1, %dma_wait3A_85, %dma_wait3A_88, %dma_wait3A_89] : memref<16x6x40x128xf32, #tpu.memory_space<vmem_shared>> -> memref<1x1x40x128xf32, #tpu.memory_space<vmem_shared>>
    %dma_wait3A_91 = tpu.memref_squeeze %dma_wait3A_90 : memref<1x1x40x128xf32, #tpu.memory_space<vmem_shared>> -> memref<40x128xf32, #tpu.memory_space<vmem_shared>>
    tpu.wait_dma2 semaphore(%arg36 : memref<!tpu.dma_semaphore, #tpu.memory_space<semaphore_mem>>) src(%dma_wait3A_91 : memref<40x128xf32, #tpu.memory_space<vmem_shared>>) dst(%dma_wait3A_87 : memref<40x128xf32, #tpu.memory_space<hbm>>)
    %add3A_92 = arith.constant 6320 : i32
    %add3A_93 = arith.addi %mul3A_2, %add3A_92 : i32
    %dma_wait3A_94 = arith.constant 4 : i32
    %dma_wait3A_95 = arith.constant 0 : i32
    %dma_wait3A_96 = tpu.memref_slice %arg4[%add3A_93, %dma_wait3A_95] : memref<204800x128xf32, #tpu.memory_space<hbm>> -> memref<40x128xf32, #tpu.memory_space<hbm>>
    %dma_wait3A_97 = arith.constant 0 : i32
    %dma_wait3A_98 = arith.constant 0 : i32
    %dma_wait3A_99 = tpu.memref_slice %arg6[%arg1, %dma_wait3A_94, %dma_wait3A_97, %dma_wait3A_98] : memref<16x6x40x128xf32, #tpu.memory_space<vmem_shared>> -> memref<1x1x40x128xf32, #tpu.memory_space<vmem_shared>>
    %dma_wait3A_100 = tpu.memref_squeeze %dma_wait3A_99 : memref<1x1x40x128xf32, #tpu.memory_space<vmem_shared>> -> memref<40x128xf32, #tpu.memory_space<vmem_shared>>
    tpu.wait_dma2 semaphore(%arg37 : memref<!tpu.dma_semaphore, #tpu.memory_space<semaphore_mem>>) src(%dma_wait3A_100 : memref<40x128xf32, #tpu.memory_space<vmem_shared>>) dst(%dma_wait3A_96 : memref<40x128xf32, #tpu.memory_space<hbm>>)
    %add3A_101 = arith.constant 6360 : i32
    %add3A_102 = arith.addi %mul3A_2, %add3A_101 : i32
    %dma_wait3A_103 = arith.constant 5 : i32
    %dma_wait3A_104 = arith.constant 0 : i32
    %dma_wait3A_105 = tpu.memref_slice %arg4[%add3A_102, %dma_wait3A_104] : memref<204800x128xf32, #tpu.memory_space<hbm>> -> memref<40x128xf32, #tpu.memory_space<hbm>>
    %dma_wait3A_106 = arith.constant 0 : i32
    %dma_wait3A_107 = arith.constant 0 : i32
    %dma_wait3A_108 = tpu.memref_slice %arg6[%arg1, %dma_wait3A_103, %dma_wait3A_106, %dma_wait3A_107] : memref<16x6x40x128xf32, #tpu.memory_space<vmem_shared>> -> memref<1x1x40x128xf32, #tpu.memory_space<vmem_shared>>
    %dma_wait3A_109 = tpu.memref_squeeze %dma_wait3A_108 : memref<1x1x40x128xf32, #tpu.memory_space<vmem_shared>> -> memref<40x128xf32, #tpu.memory_space<vmem_shared>>
    tpu.wait_dma2 semaphore(%arg38 : memref<!tpu.dma_semaphore, #tpu.memory_space<semaphore_mem>>) src(%dma_wait3A_109 : memref<40x128xf32, #tpu.memory_space<vmem_shared>>) dst(%dma_wait3A_105 : memref<40x128xf32, #tpu.memory_space<hbm>>)
    return
  }
}

</mosaic_0001>

<sc_bundles>
// kernel: kernel.3.cloned.1.call-start
scs
__scs_entry_jumppad:
0x0: {  	(pc) =	sbr.rel $0x88, $3  }
0x1: {  	(tag) =	ssettag $0x0;
	lr =	simm.s32 $0x1  }
0x2: {  	[smem:$0x3F9F] =	sst lr;
	_ =	strace $0xD0000000  }
0x3: {  	_ = 	snop  }
0x4: {  	_ = 	snop  }
0x5: {  	_ = 	snop  }
0x6: {  	_ = 	snop  }
0x7: {  	_ = 	snop  }
__scs_overlays_trampoline_lowered:
0x8: {  	[smem:$0x3FAE] =	sst s0  }
0x9: {  	[smem:$0x3FAF] =	sst s1  }
0xa: {  	[smem:$0x3FB0] =	sst s2  }
0xb: {  	[smem:$0x3FB1] =	sst s3  }
0xc: {  	[smem:$0x3FB2] =	sst s4  }
0xd: {  	[smem:$0x3FB3] =	sst s5  }
0xe: {  	[smem:$0x3FB4] =	sst s6  }
0xf: {  	[smem:$0x3FB5] =	sst s7  }
0x10: {  	[smem:$0x3FB6] =	sst s8  }
0x11: {  	[smem:$0x3FB7] =	sst s9;
	s0 =	simm.s32 @!p0 $0x0  }
0x12: {  	s1 =	sld [smem:$0x3F9D];
	s0 =	simm.s32 @p0 $0x1  }
0x13: {  	[smem:$0x3FB8] =	sst s0;
	s0 =	simm.s32 @!p1 $0x0  }
0x14: {  	s2 =	sld [smem:$0x3F9C];
	s0 =	simm.s32 @p1 $0x1  }
0x15: {  	[smem:$0x3FB9] =	sst s0;
	s0 =	simm.s32 @!p2 $0x0  }
0x16: {  	s3 =	sld [smem:$0x3FDB];
	s0 =	simm.s32 @p2 $0x1  }
0x17: {  	s4 =	simm.s32 $0x1BF5;
	[smem:$0x3FBB] =	sst s0  }
0x18: {  	s0 =	sld [smem:$0x3F9E];
	_ =	swait.ge [sflag:s4], $0x0  }
0x19: {  	s7 =	sld [smem:$0x3F9F]  }
0x1a: {  	s8 =	sadd.s32 $0xFFFFE003, lr  }
0x1b: {  	s9 =	sadd.s32 $0xFFFFFEF7, lr;
	s5 =	simm.s32 $0xFFFFFFFF;
	p2 =	slt.u32 s8, $0xFFFFF086  }
0x1c: {  	p1 =	slt.u32 s9, $0xF7A;
	s5 =	simm.s32 @!p2 $0x0  }
0x1d: {  	s5 =	simm.s32 @p1 $0x1;
	p0 =	seq.s32 s7, s2  }
0x1e: {  	s7 =	smul.u32 @!p0 $0xF7A, s2;
	p2 =	seq.s32 @!p0 s5, $0x0  }
0x1f: {  	s9 =	smul.u32 $0xF7A, s1;
	s8 =	simm.s32 @!p0 $0x1BF5;
	p2 =	por !p2, p0  }
0x20: {  	[sflag:s8] =	ssyncset.s32 @!p0 $0xFFFFF086;
	s6 =	sadd.s32 @!p0 s3, s7;
	s7 =	simm.s32 @!p0 $0x108  }
0x21: {  	s3 =	sadd.s32 s3, s9;
	s6 =	sadd.s32 @!p0 $0x88, s6;
	s7 =	simm.s32 @p2 $0x1082  }
0x22: {  	[simem:s7], [sflag:s8] =	dma.local @!p0 [hbm:s6], $0xF7A  }
0x23: {  	s9 =	sor.u32 $0xD0000000, s2;
	s6 =	simm.s32 $0x108;
	_ =	swait.ge @!p0 [sflag:s8], $0x0  }
0x24: {  	s3 =	sadd.s32 $0x88, s3;
	s6 =	simm.s32 @!p1 $0x1082;
	[sflag:s4] =	ssyncset.s32 $0xFFFFF086  }
0x25: {  	[simem:s6], [sflag:s4] =	dma.local [hbm:s3], $0xF7A  }
0x26: {  	[smem:$0x3F9F] =	sst s1;
	(tag) =	ssettag s2;
	_ =	strace s9  }
0x27: {  	s1 =	sld [smem:$0x3FAF]  }
0x28: {  	s2 =	sld [smem:$0x3FB0]  }
0x29: {  	s4 =	sld [smem:$0x3FB2]  }
0x2a: {  	p0 =	seq.s32 s5, $0x0;
	s5 =	sld [smem:$0x3FB3]  }
0x2b: {  	s6 =	sld [smem:$0x3FB4]  }
0x2c: {  	s7 =	sld [smem:$0x3FB5]  }
0x2d: {  	s3 =	simm.s32 $0x108;
	s8 =	sld [smem:$0x3FB6]  }
0x2e: {  	s3 =	simm.s32 @!p0 $0x1082;
	s9 =	sld [smem:$0x3FB7]  }
0x2f: {  	lr =	sadd.s32 s0, s3;
	s0 =	sld [smem:$0x3FAE]  }
0x30: {  	s3 =	sld [smem:$0x3FB1]  }
0x31: {  	[smem:$0x3FBA] =	sst s10  }
0x32: {  	s10 =	sld [smem:$0x3FB8];
	_ =	sdelay $0x3  }
0x33: {  	p0 =	seq.s32 s10, $0x1;
	s10 =	sld [smem:$0x3FBA];
	_ =	sdelay $0x3  }
0x34: {  	[smem:$0x3FBA] =	sst s10  }
0x35: {  	s10 =	sld [smem:$0x3FB9];
	_ =	sdelay $0x3  }
0x36: {  	p1 =	seq.s32 s10, $0x1;
	s10 =	sld [smem:$0x3FBA];
	_ =	sdelay $0x3  }
0x37: {  	[smem:$0x3FBA] =	sst s10  }
0x38: {  	s10 =	sld [smem:$0x3FBB]  }
0x39: {  	_ = 	snop;
	(pc) =	sbr.ind lr, $3  }
0x3a: {  	_ = 	snop  }
0x3b: {  	_ = 	snop  }
0x3c: {  	p2 =	seq.s32 s10, $0x1;
	s10 =	sld [smem:$0x3FBA]  }
0x3d: {  	_ =	shalt  }
0x3e: {  	_ =	shalt  }
0x3f: {  	_ =	shalt  }
0x40: {  	_ =	shalt  }
0x41: {  	_ =	shalt  }
0x42: {  	_ =	shalt  }
0x43: {  	_ =	shalt  }
0x44: {  	_ =	shalt  }
0x45: {  	_ =	shalt  }
0x46: {  	_ =	shalt  }
0x47: {  	_ =	shalt  }
0x48: {  	_ =	shalt  }
0x49: {  	_ =	shalt  }
0x4a: {  	_ =	shalt  }
0x4b: {  	_ =	shalt  }
0x4c: {  	_ =	shalt  }
0x4d: {  	_ =	shalt  }
0x4e: {  	_ =	shalt  }
0x4f: {  	_ =	shalt  }
0x50: {  	_ =	shalt  }
0x51: {  	_ =	shalt  }
0x52: {  	_ =	shalt  }
0x53: {  	_ =	shalt  }
0x54: {  	_ =	shalt  }
0x55: {  	_ =	shalt  }
0x56: {  	_ =	shalt  }
0x57: {  	_ =	shalt  }
0x58: {  	_ =	shalt  }
0x59: {  	_ =	shalt  }
0x5a: {  	_ =	shalt  }
0x5b: {  	_ =	shalt  }
0x5c: {  	_ =	shalt  }
0x5d: {  	_ =	shalt  }
0x5e: {  	_ =	shalt  }
0x5f: {  	_ =	shalt  }
0x60: {  	_ =	shalt  }
0x61: {  	_ =	shalt  }
0x62: {  	_ =	shalt  }
0x63: {  	_ =	shalt  }
0x64: {  	_ =	shalt  }
0x65: {  	_ =	shalt  }
0x66: {  	_ =	shalt  }
0x67: {  	_ =	shalt  }
0x68: {  	_ =	shalt  }
0x69: {  	_ =	shalt  }
0x6a: {  	_ =	shalt  }
0x6b: {  	_ =	shalt  }
0x6c: {  	_ =	shalt  }
0x6d: {  	_ =	shalt  }
0x6e: {  	_ =	shalt  }
0x6f: {  	_ =	shalt  }
0x70: {  	_ =	shalt  }
0x71: {  	_ =	shalt  }
0x72: {  	_ =	shalt  }
0x73: {  	_ =	shalt  }
0x74: {  	_ =	shalt  }
0x75: {  	_ =	shalt  }
0x76: {  	_ =	shalt  }
0x77: {  	_ =	shalt  }
0x78: {  	_ =	shalt  }
0x79: {  	_ =	shalt  }
0x7a: {  	_ =	shalt  }
0x7b: {  	_ =	shalt  }
0x7c: {  	_ =	shalt  }
0x7d: {  	_ =	shalt  }
0x7e: {  	_ =	shalt  }
0x7f: {  	_ =	shalt  }
0x80: {  	_ =	shalt  }
0x81: {  	_ =	shalt  }
0x82: {  	_ =	shalt  }
0x83: {  	_ =	shalt  }
0x84: {  	_ =	shalt  }
0x85: {  	_ =	shalt  }
0x86: {  	_ =	shalt  }
0x87: {  	_ =	shalt  }
.Lfunc_end0:
.L_simem_size_0:
called_computation_lowered:
.L_overlay_start_0:
0x88: {  	s2 =	sld [smem:$0x3FD9]  }
0x89: {  	s3 =	sld [smem:$0x3FFE];
	_ =	sdelay $0x1  }
0x8a: {  	s1 =	srdreg.scid  }
0x8b: {  	s0 =	sand.u32 $0x1, s1  }
0x8c: {  	s17 =	sshll.u32 s0, $0xA;
	s2 =	sadd.s32 s3, s2  }
0x8d: {  	s2 =	sadd.s32 s2, s17  }
0x8e: {  	[smem:$0x3FC6] =	sst s2  }
0x8f: {  	_ = 	snop  }
0x90: {  	s2 =	sld [smem:$0x3FC8]  }
0x91: {  	s18 =	sld [smem:$0x3FD0];
	(tm) =	ssettm $0x1  }
0x92: {  	s4 =	sld [smem:$0x3FFB];
	_ =	sdelay $0x3  }
0x93: {  	_ =	strace s4  }
0x94: {  	s4 =	sld [smem:$0x3FFC];
	_ =	sdelay $0x3  }
0x95: {  	_ =	strace s4  }
0x96: {  	s4 =	sld [smem:$0x3FFD];
	_ =	sdelay $0x3  }
0x97: {  	_ =	strace s4  }
0x98: {  	_ =	strace $0x8FFFFFFF  }
0x99: {  	s19 =	sld [smem:$0x3FDB];
	_ =	sdelay $0x1  }
0x9a: {  	s5 =	simm.s32 $_scs_section_size  }
0x9b: {  	s6 =	simm.s32 $_size__tile_overlayer_lowered;
	s7 =	simm.s32 $_tile_overlayer_lowered  }
0x9c: {  	s22 =	simm.s32 $0x1BFF;
	s21 =	sshll.u32 s7, $0x1;
	s4 =	sadd.s32 s5, s19  }
0x9d: {  	s8 =	simm.s32 $0x0;
	s20 =	sshll.u32 s6, $0x1;
	s6 =	sadd.s32 s21, s4  }
0x9e: {  	[timem:s8], [sflag:s22] =	dma.local [hbm:s6], s20  }
0x9f: {  	_ =	swait.ge [sflag:s22], s20  }
0xa0: {  	s5 =	ssub.s32 $0x0, s20;
	[sflag:s22] =	ssyncset.done $0x0  }
0xa1: {  	[sflag:s22] =	ssyncadd.s32 s5;
	_ =	sdelay $0x1  }
0xa2: {  	s23 =	simm.s32 $0x1B8B  }
0xa3: {  	_ =	swait.ge [sflag:s23], $0x1  }
0xa4: {  	[sflag:s23] =	ssyncset.done $0x0  }
0xa5: {  	s25 =	simm.s32 $0x1B8E;
	s24 =	sld [smem:$0x3FFE];
	[sflag:s23] =	ssyncadd.s32 $0xFFFFFFFF  }
0xa6: {  	s26 =	simm.s32 $execute0_lowered;
	[smem:$0x3FD2] =	sst s25  }
0xa7: {  	s6 =	sshll.u32 s26, $0x1;
	_ =	strace $0x80000046;
	[dreg:$0x1] =	wrdreg $0xFFFFFFFF  }
0xa8: {  	s28 =	simm.s32 $_size_execute0_lowered;
	s4 =	sadd.s32 s4, s6;
	[dreg:$0x0] =	wrdreg $0x0  }
0xa9: {  	s6 =	sshll.u32 s28, $0x1;
	[dreg:$0x2] =	wrdreg s4  }
0xaa: {  	[dreg:$0x3] =	wrdreg s6  }
0xab: {  	[dreg:$0x4] =	wrdreg $0xC0  }
0xac: {  	_ =	task [dreg:s8], $0x5FFFF  }
0xad: {  	[dreg:$0x1] =	wrdreg $0xFFFFFFFF  }
0xae: {  	[dreg:$0x0] =	wrdreg $0x60  }
0xaf: {  	[dreg:$0x2] =	wrdreg s2  }
0xb0: {  	[dreg:$0x3] =	wrdreg s24  }
0xb1: {  	[dreg:$0x4] =	wrdreg s18  }
0xb2: {  	[dreg:$0x5] =	wrdreg $0x19000  }
0xb3: {  	[dreg:$0x6] =	wrdreg $0x9  }
0xb4: {  	_ =	task.clear_ibuf [dreg:s8], $0x7FFFF;
	_ =	strace $0x90000046  }
0xb5: {  	s29 =	simm.s32 $0x9;
	_ =	strace $0x80000048  }
0xb6: {  	_ =	swait.ge [sflag:s29], $0x1  }
0xb7: {  	[sflag:s29] =	ssyncadd.s32 $0xFFFFFFFF  }
0xb8: {  	_ =	strace $0x90000048  }
0xb9: {  	_ =	sfence  }
0xba: {  	s30 =	sld [smem:$0x0];
	_ =	sdelay $0x2  }
0xbb: {  	s31 =	sshll.u32 s1, $0xD;
	s1 =	sshrl.u32 s1, $0x2  }
0xbc: {  	s3 =	sand.u32 $0x4000, s31;
	s1 =	sadd.s32 s1, s30  }
0xbd: {  	s0 =	sor.u32 s3, s0;
	s1 =	sshll.u32 s1, $0x11  }
0xbe: {  	s0 =	sor.u32 s1, s0  }
0xbf: {  	s0 =	sadd.s32 $0x8F2B, s0  }
0xc0: {  	[sflag:s0] =	ssyncadd.remote.s32 $0x1  }
0xc1: {  	_ =	sfence.sel $0xFFFF  }
0xc2: {  	[dreg:$0x0] =	wrdreg $0xFFFFFFFF;
	(pc) =	sbr.abs _section_cstart, $3  }
0xc3: {  	[dreg:$0x1] =	wrdreg $0xFFFFFFFF  }
0xc4: {  	_ =	task.clear_ibuf [dreg:s8], $0x2FFFF;
	_ =	strace $0x9FFFFFFF  }
0xc5: {  	(tm) =	ssettm $0x7FFFFFFF  }
tec
execute0_lowered:
.L_overlay_start_1:
0x0: {  	(tag) =	ssettag $0x1  }
0x1: {  	s11 =	rddreg [dreg:$0x0]  }
0x2: {  	s0 =	rddreg [dreg:$0x1];
	s2 =	srdreg.scid  }
0x3: {  	s9 =	stileid.u32;
	s3 =	rddreg [dreg:$0x2]  }
0x4: {  	s5 =	rddreg [dreg:$0x3];
	s6 =	simm.s32 $0x0;
	s18 =	simm.s32 $0x28  }
0x5: {  	s14 =	simm.s32 $0xA500;
	s20 =	simm.s32 $0xB900;
	s10 =	simm.s32 $0xCD00  }
0x6: {  	s12 =	simm.s32 $0x13100;
	s13 =	simm.s32 $0x14500;
	s19 =	simm.s32 $0x1  }
0x7: {  	s17 =	simm.s32 $0xB;
	s29 =	simm.s32 $0xD;
	s16 =	simm.s32 $0x4  }
0x8: {  	s15 =	simm.s32 $0xE;
	s2 =	sand.u32 $0x1, s2;
	s7 =	smul.u32 $0x1E000, s9  }
0x9: {  	s1 =	sshll.u32 s9, $0x1;
	[smem:$0x7FF] =	sst s6;
	s24 =	smul.u32 $0x32000, s9  }
0xa: {  	s9 =	simm.s32 $0xE100;
	s1 =	sor.u32 s2, s1;
	s21 =	ssub.s32 $0x2, s2  }
0xb: {  	_ =	strace $0x80000047;
	s2 =	smul.u32 $0x19000, s2;
	s23 =	sshrl.u32 s7, $0x2  }
0xc: {  	s1 =	smul.u32 $0x1900, s1;
	s8 =	sshrl.u32 s21, $0x1;
	s5 =	sadd.s32 s23, s5  }
0xd: {  	s7 =	simm.s32 $0x10900;
	s6 =	sadd.s32 $0x1400, s5;
	[dreg:$0x6] =	wrdreg s5  }
0xe: {  	s22 =	ssub.s32 s21, s8;
	s25 =	sadd.s32 $0x2800, s5;
	[dreg:$0x7] =	wrdreg s6  }
0xf: {  	s1 =	sshrl.u32 s1, $0x3;
	s26 =	sadd.s32 $0x3C00, s5;
	[dreg:$0x8] =	wrdreg s25  }
0x10: {  	s28 =	sadd.s32 $0x5000, s5;
	s0 =	sadd.s32 s1, s0;
	[dreg:$0x9] =	wrdreg s26  }
.Ltmp0:
0x11: {  	[dreg:$0xa] =	wrdreg s28;
	s0 =	sadd.s32 $0x400, s0;
	(pc) =	sbr.rel .LBB2_1-.Ltmp0, $4  }
0x12: {  	s30 =	sadd.s32 $0x6400, s5;
	[dreg:$0x5] =	wrdreg s0;
	s0 =	sadd.s32 s24, s3  }
0x13: {  	s31 =	smax.u32 s22, $0x1;
	[dreg:$0xb] =	wrdreg s30;
	s0 =	sadd.s32 s2, s0  }
0x14: {  	s8 =	simm.s32 $0x11D00;
	[dreg:$0xc] =	wrdreg s31;
	s0 =	sadd.s32 $0x1400, s0  }
0x15: {  	s6 =	simm.s32 $0xF500;
	s1 =	simm.s32 $0x0;
	[dreg:$0xd] =	wrdreg s0  }
.LBB2_4:
0x16: {  	s0 =	simm.s32 $0x18  }
0x17: {  	_ =	swait.ge [sflag:s0], $0x1400  }
0x18: {  	[sflag:s0] =	ssyncset.done $0x0  }
0x19: {  	s22 =	simm.s32 $0x19;
	[sflag:s0] =	ssyncadd.s32 $0xFFFFEC00  }
0x1a: {  	_ =	swait.ge [sflag:s22], $0x1400  }
0x1b: {  	[sflag:s22] =	ssyncset.done $0x0  }
0x1c: {  	s23 =	simm.s32 $0x1A;
	[sflag:s22] =	ssyncadd.s32 $0xFFFFEC00  }
0x1d: {  	_ =	swait.ge [sflag:s23], $0x1400  }
0x1e: {  	[sflag:s23] =	ssyncset.done $0x0  }
0x1f: {  	s24 =	simm.s32 $0x11;
	[sflag:s23] =	ssyncadd.s32 $0xFFFFEC00  }
0x20: {  	_ =	swait.ge [sflag:s24], $0x280  }
0x21: {  	[sflag:s24] =	ssyncset.done $0x0  }
0x22: {  	s25 =	simm.s32 $0x12;
	[sflag:s24] =	ssyncadd.s32 $0xFFFFFD80  }
0x23: {  	_ =	swait.ge [sflag:s25], $0x280  }
0x24: {  	[sflag:s25] =	ssyncset.done $0x0  }
0x25: {  	s26 =	simm.s32 $0x13;
	[sflag:s25] =	ssyncadd.s32 $0xFFFFFD80  }
0x26: {  	_ =	swait.ge [sflag:s26], $0x280  }
0x27: {  	[sflag:s26] =	ssyncset.done $0x0  }
0x28: {  	s28 =	simm.s32 $0x14;
	[sflag:s26] =	ssyncadd.s32 $0xFFFFFD80  }
0x29: {  	_ =	swait.ge [sflag:s28], $0x280  }
0x2a: {  	[sflag:s28] =	ssyncset.done $0x0  }
0x2b: {  	s30 =	simm.s32 $0x15;
	[sflag:s28] =	ssyncadd.s32 $0xFFFFFD80  }
0x2c: {  	_ =	swait.ge [sflag:s30], $0x280  }
0x2d: {  	[sflag:s30] =	ssyncset.done $0x0  }
0x2e: {  	s31 =	simm.s32 $0x16;
	[sflag:s30] =	ssyncadd.s32 $0xFFFFFD80  }
0x2f: {  	_ =	swait.ge [sflag:s31], $0x280  }
0x30: {  	s1 =	rddreg [dreg:$0xe]  }
0x31: {  	s3 =	rddreg [dreg:$0xc];
	s1 =	sadd.s32 $0x1, s1  }
0x32: {  	p0 =	sne.s32 s1, s3  }
.Ltmp1:
0x33: {  	_ = 	snop;
	(pc) =	sbr.rel @!p0 .LBB2_5-.Ltmp1, $3  }
0x34: {  	_ =	sdelay $0x1  }
0x35: {  	s18 =	simm.s32 $0x28;
	[sflag:s31] =	ssyncset.done $0x0  }
0x36: {  	s7 =	simm.s32 $0x10900;
	s8 =	simm.s32 $0x11D00;
	[sflag:s31] =	ssyncadd.s32 $0xFFFFFD80  }
.LBB2_1:
0x37: {  	[dreg:$0xe] =	wrdreg s1  }
0x38: {  	s3 =	simm.s32 $0x0;
	s5 =	rddreg [dreg:$0x5];
	s21 =	simm.s32 $0x1B  }
0x39: {  	[tilespmem:s3], [sflag:$0x1B] =	stream.linear.gather [hbm4b:s5+s3], $0x1900, $0x38;
	[tilespmem:$0x15900] =	vst v63  }
0x3a: {  	_ =	swait.ge [sflag:s21], $0x1900  }
0x3b: {  	[sflag:s21] =	ssyncset.done $0x0  }
0x3c: {  	s0 =	simm.s32 $0x9100;
	[sflag:s21] =	ssyncadd.s32 $0xFFFFE700  }
0x3d: {  	[tilespmem:s0], [sflag:$0x1] =	stream.indirect.gather [hbm4b:s11+s18], $0x80, s18, s18, $0xb8;
	[tilespmem:$0x15900] =	vst v63  }
0x3e: {  	s2 =	simm.s32 $0x50  }
0x3f: {  	[tilespmem:s14], [sflag:$0x2] =	stream.indirect.gather [hbm4b:s11+s18], $0x80, s2, s18, $0xb8;
	[tilespmem:$0x15900] =	vst v63  }
0x40: {  	s22 =	simm.s32 $0x78  }
0x41: {  	[tilespmem:s20], [sflag:$0x3] =	stream.indirect.gather [hbm4b:s11+s18], $0x80, s22, s18, $0xb8;
	[tilespmem:$0x15900] =	vst v63  }
0x42: {  	s23 =	simm.s32 $0xC8  }
0x43: {  	[tilespmem:s10], [sflag:$0x4] =	stream.indirect.gather [hbm4b:s11+s18], $0x80, s23, s18, $0xb8;
	[tilespmem:$0x15900] =	vst v63  }
0x44: {  	s24 =	simm.s32 $0xF0  }
0x45: {  	[tilespmem:s9], [sflag:$0x5] =	stream.indirect.gather [hbm4b:s11+s18], $0x80, s24, s18, $0xb8;
	[tilespmem:$0x15900] =	vst v63  }
0x46: {  	s25 =	simm.s32 $0x118  }
0x47: {  	[tilespmem:s6], [sflag:$0x6] =	stream.indirect.gather [hbm4b:s11+s18], $0x80, s25, s18, $0xb8;
	[tilespmem:$0x15900] =	vst v63  }
0x48: {  	_ = 	snop  }
0x49: {  	[tilespmem:s7], [sflag:$0x7] =	stream.indirect.gather [hbm4b:s11+s18], $0x80, s3, s18, $0xb8;
	[tilespmem:$0x15900] =	vst v63  }
0x4a: {  	s26 =	simm.s32 $0xA0;
	s31 =	simm.s32 $0x0  }
0x4b: {  	[tilespmem:s8], [sflag:$0x8] =	stream.indirect.gather [hbm4b:s11+s18], $0x80, s26, s18, $0xb8;
	[tilespmem:$0x15900] =	vst v63  }
0x4c: {  	s28 =	simm.s32 $0x140;
	[dreg:$0xf] =	wrdreg s31  }
0x4d: {  	[tilespmem:s12], [sflag:$0x9] =	stream.indirect.gather [hbm4b:s11+s18], $0x80, s28, s18, $0xb8;
	[tilespmem:$0x15900] =	vst v63  }
0x4e: {  	s30 =	simm.s32 $0x1E0;
	s26 =	rddreg [dreg:$0xd]  }
0x4f: {  	[tilespmem:s13], [sflag:$0xA] =	stream.indirect.gather [hbm4b:s11+s18], $0x80, s30, s18, $0xb8;
	[tilespmem:$0x15900] =	vst v63  }
.LBB2_2:
0x50: {  	_ =	swait.ge [sflag:s19], $0x1400  }
0x51: {  	s0 =	rddreg [dreg:$0xf]  }
0x52: {  	[sflag:s19] =	ssyncset.done $0x0;
	p0 =	seq.s32 s0, $0x0  }
0x53: {  	[sflag:s19] =	ssyncadd.s32 $0xFFFFEC00;
	s3 =	simm.s32 @!p0 $0x11  }
0x54: {  	s1 =	simm.s32 $0x9100;
	s24 =	simm.s32 $0x9100;
	_ =	swait.ge @!p0 [sflag:s3], $0x280  }
0x55: {  	s25 =	stileid.u32;
	s28 =	sadd.s32 $0xFFFFEE80, s26;
	[sflag:s3] =	ssyncset.done @!p0 $0x0  }
0x56: {  	s14 =	simm.s32 $0x2;
	s10 =	rddreg [dreg:$0x6];
	[sflag:s3] =	ssyncadd.s32 @!p0 $0xFFFFFD80  }
0x57: {  	[spmem:s10] =	stream.linear.scatter [tilespmem:s1], [sflag:$0xB], $0x1400, $0x38;
	[tilespmem:$0x15900] =	vst v63  }
0x58: {  	s7 =	sshll.u32 s25, $0x6;
	s23 =	sshra.s32 s0, $0x2;
	_ =	swait.ge [sflag:s17], $0x1400  }
0x59: {  	s2 =	sor.u32 $0x1C11, s7;
	s30 =	sadd.s32 $0x168, s23;
	[sflag:s17] =	ssyncset.done $0x0  }
0x5a: {  	s25 =	sshrl.u32 s10, $0x3;
	[dreg:$0x11] =	wrdreg s2;
	[sflag:s17] =	ssyncadd.s32 $0xFFFFEC00  }
0x5b: {  	[hbm:s28], [sflag:s2] =	dma.local [spmem:s25], $0x280  }
0x5c: {  	[tilespmem:s24], [sflag:$0x1] =	stream.indirect.gather [hbm4b:s11+s18], $0x80, s30, s18, $0xb8;
	[tilespmem:$0x15900] =	vst v63  }
0x5d: {  	_ =	swait.ge [sflag:s14], $0x1400  }
0x5e: {  	[sflag:s14] =	ssyncset.done $0x0  }
0x5f: {  	s3 =	simm.s32 @!p0 $0x12;
	[sflag:s14] =	ssyncadd.s32 $0xFFFFEC00  }
0x60: {  	_ =	swait.ge @!p0 [sflag:s3], $0x280  }
0x61: {  	s31 =	simm.s32 $0xA500;
	[sflag:s3] =	ssyncset.done @!p0 $0x0  }
0x62: {  	s13 =	simm.s32 $0xC;
	s20 =	rddreg [dreg:$0x7];
	[sflag:s3] =	ssyncadd.s32 @!p0 $0xFFFFFD80  }
0x63: {  	[spmem:s20] =	stream.linear.scatter [tilespmem:s31], [sflag:$0xC], $0x1400, $0x38;
	[tilespmem:$0x15900] =	vst v63  }
0x64: {  	s5 =	sor.u32 $0x1C12, s7;
	s6 =	sadd.s32 $0x190, s23;
	_ =	swait.ge [sflag:s13], $0x1400  }
0x65: {  	s4 =	sshrl.u32 s20, $0x3;
	[dreg:$0x12] =	wrdreg s5;
	[sflag:s13] =	ssyncset.done $0x0  }
0x66: {  	s2 =	sadd.s32 $0xFFFFF100, s26;
	[dreg:$0x10] =	wrdreg s4;
	[sflag:s13] =	ssyncadd.s32 $0xFFFFEC00  }
0x67: {  	[hbm:s2], [sflag:s5] =	dma.local [spmem:s4], $0x280  }
0x68: {  	[tilespmem:s31], [sflag:$0x2] =	stream.indirect.gather [hbm4b:s11+s18], $0x80, s6, s18, $0xb8;
	[tilespmem:$0x15900] =	vst v63  }
0x69: {  	s6 =	simm.s32 $0x3  }
0x6a: {  	_ =	swait.ge [sflag:s6], $0x1400  }
0x6b: {  	[sflag:s6] =	ssyncset.done $0x0  }
0x6c: {  	s3 =	simm.s32 @!p0 $0x13;
	[sflag:s6] =	ssyncadd.s32 $0xFFFFEC00  }
0x6d: {  	_ =	swait.ge @!p0 [sflag:s3], $0x280  }
0x6e: {  	[sflag:s3] =	ssyncset.done @!p0 $0x0  }
0x6f: {  	s8 =	simm.s32 $0xB900;
	s22 =	rddreg [dreg:$0x8];
	[sflag:s3] =	ssyncadd.s32 @!p0 $0xFFFFFD80  }
0x70: {  	[spmem:s22] =	stream.linear.scatter [tilespmem:s8], [sflag:$0xD], $0x1400, $0x38;
	[tilespmem:$0x15900] =	vst v63  }
0x71: {  	s9 =	sadd.s32 $0xFFFFF380, s26;
	s12 =	sor.u32 $0x1C13, s7;
	_ =	swait.ge [sflag:s29], $0x1400  }
0x72: {  	s21 =	sshrl.u32 s22, $0x3;
	[dreg:$0x14] =	wrdreg s12;
	[sflag:s29] =	ssyncset.done $0x0  }
0x73: {  	s24 =	sadd.s32 $0x1B8, s23;
	[dreg:$0x13] =	wrdreg s21;
	[sflag:s29] =	ssyncadd.s32 $0xFFFFEC00  }
0x74: {  	[hbm:s9], [sflag:s12] =	dma.local [spmem:s21], $0x280  }
0x75: {  	[tilespmem:s8], [sflag:$0x3] =	stream.indirect.gather [hbm4b:s11+s18], $0x80, s24, s18, $0xb8;
	[tilespmem:$0x15900] =	vst v63  }
0x76: {  	_ =	swait.ge [sflag:s16], $0x1400  }
0x77: {  	[sflag:s16] =	ssyncset.done $0x0  }
0x78: {  	s3 =	simm.s32 @!p0 $0x14;
	[sflag:s16] =	ssyncadd.s32 $0xFFFFEC00  }
0x79: {  	_ =	swait.ge @!p0 [sflag:s3], $0x280  }
0x7a: {  	[sflag:s3] =	ssyncset.done @!p0 $0x0  }
0x7b: {  	s28 =	simm.s32 $0xCD00;
	s24 =	rddreg [dreg:$0x9];
	[sflag:s3] =	ssyncadd.s32 @!p0 $0xFFFFFD80  }
0x7c: {  	[spmem:s24] =	stream.linear.scatter [tilespmem:s28], [sflag:$0xE], $0x1400, $0x38;
	[tilespmem:$0x15900] =	vst v63  }
0x7d: {  	s30 =	sor.u32 $0x1C14, s7;
	s5 =	sadd.s32 $0xFFFFF880, s26;
	_ =	swait.ge [sflag:s15], $0x1400  }
0x7e: {  	s31 =	sadd.s32 $0x208, s23;
	s12 =	simm.s32 $0x5;
	[sflag:s15] =	ssyncset.done $0x0  }
0x7f: {  	s3 =	sshrl.u32 s24, $0x3;
	[dreg:$0x15] =	wrdreg s30;
	[sflag:s15] =	ssyncadd.s32 $0xFFFFEC00  }
0x80: {  	[hbm:s5], [sflag:s30] =	dma.local [spmem:s3], $0x280  }
0x81: {  	[tilespmem:s28], [sflag:$0x4] =	stream.indirect.gather [hbm4b:s11+s18], $0x80, s31, s18, $0xb8;
	[tilespmem:$0x15900] =	vst v63  }
0x82: {  	_ =	swait.ge [sflag:s12], $0x1400  }
0x83: {  	[sflag:s12] =	ssyncset.done $0x0  }
0x84: {  	s5 =	simm.s32 @!p0 $0x15;
	[sflag:s12] =	ssyncadd.s32 $0xFFFFEC00  }
0x85: {  	_ =	swait.ge @!p0 [sflag:s5], $0x280  }
0x86: {  	s2 =	simm.s32 $0xE100;
	[sflag:s5] =	ssyncset.done @!p0 $0x0  }
0x87: {  	s4 =	simm.s32 $0xF;
	s28 =	rddreg [dreg:$0xa];
	[sflag:s5] =	ssyncadd.s32 @!p0 $0xFFFFFD80  }
0x88: {  	[spmem:s28] =	stream.linear.scatter [tilespmem:s2], [sflag:$0xF], $0x1400, $0x38;
	[tilespmem:$0x15900] =	vst v63  }
0x89: {  	s1 =	simm.s32 $0x6;
	_ =	swait.ge [sflag:s4], $0x1400  }
0x8a: {  	s21 =	sor.u32 $0x1C15, s7;
	s9 =	sadd.s32 $0x230, s23;
	[sflag:s4] =	ssyncset.done $0x0  }
0x8b: {  	s8 =	sadd.s32 $0xFFFFFB00, s26;
	s5 =	sshrl.u32 s28, $0x3;
	[sflag:s4] =	ssyncadd.s32 $0xFFFFEC00  }
0x8c: {  	[hbm:s8], [sflag:s21] =	dma.local [spmem:s5], $0x280  }
0x8d: {  	[tilespmem:s2], [sflag:$0x5] =	stream.indirect.gather [hbm4b:s11+s18], $0x80, s9, s18, $0xb8;
	[tilespmem:$0x15900] =	vst v63  }
0x8e: {  	_ =	swait.ge [sflag:s1], $0x1400  }
0x8f: {  	[sflag:s1] =	ssyncset.done $0x0  }
0x90: {  	s8 =	simm.s32 @!p0 $0x16;
	[sflag:s1] =	ssyncadd.s32 $0xFFFFEC00  }
0x91: {  	_ =	swait.ge @!p0 [sflag:s8], $0x280  }
0x92: {  	s31 =	simm.s32 $0xF500;
	[sflag:s8] =	ssyncset.done @!p0 $0x0  }
0x93: {  	s2 =	simm.s32 $0x10;
	s30 =	rddreg [dreg:$0xb];
	[sflag:s8] =	ssyncadd.s32 @!p0 $0xFFFFFD80  }
0x94: {  	[spmem:s30] =	stream.linear.scatter [tilespmem:s31], [sflag:$0x10], $0x1400, $0x38;
	[tilespmem:$0x15900] =	vst v63  }
0x95: {  	_ =	swait.ge [sflag:s2], $0x1400  }
0x96: {  	s7 =	sor.u32 $0x1C16, s7;
	[sflag:s2] =	ssyncset.done $0x0  }
0x97: {  	s9 =	sadd.s32 $0xFFFFFD80, s26;
	s8 =	sshrl.u32 s30, $0x3;
	[sflag:s2] =	ssyncadd.s32 $0xFFFFEC00  }
0x98: {  	[hbm:s9], [sflag:s7] =	dma.local [spmem:s8], $0x280  }
0x99: {  	s9 =	sadd.s32 $0x258, s23  }
0x9a: {  	[tilespmem:s31], [sflag:$0x6] =	stream.indirect.gather [hbm4b:s11+s18], $0x80, s9, s18, $0xb8;
	[tilespmem:$0x15900] =	vst v63  }
0x9b: {  	s18 =	simm.s32 $0x7  }
0x9c: {  	_ =	swait.ge [sflag:s18], $0x1400  }
0x9d: {  	s9 =	sadd.s32 $0xFFFFEC00, s26;
	[sflag:s18] =	ssyncset.done $0x0  }
0x9e: {  	s31 =	simm.s32 $0x10900;
	[sflag:s18] =	ssyncadd.s32 $0xFFFFEC00;
	s18 =	simm.s32 $0x0  }
0x9f: {  	[hbm4b:s9+s18] =	stream.linear.scatter [tilespmem:s31], [sflag:$0x17], $0x1400, $0x38;
	[tilespmem:$0x15900] =	vst v63  }
0xa0: {  	s31 =	simm.s32 $0x8  }
0xa1: {  	_ =	swait.ge [sflag:s31], $0x1400  }
0xa2: {  	[sflag:s31] =	ssyncset.done $0x0  }
0xa3: {  	s9 =	sadd.s32 $0xFFFFF600, s26;
	[sflag:s31] =	ssyncadd.s32 $0xFFFFEC00;
	s31 =	simm.s32 $0x11D00  }
0xa4: {  	[hbm4b:s9+s18] =	stream.linear.scatter [tilespmem:s31], [sflag:$0x18], $0x1400, $0x38;
	[tilespmem:$0x15900] =	vst v63  }
0xa5: {  	_ =	swait.ge [sflag:s19], $0x1400  }
0xa6: {  	[sflag:s19] =	ssyncset.done $0x0  }
0xa7: {  	s31 =	simm.s32 $0x11;
	[sflag:s19] =	ssyncadd.s32 $0xFFFFEC00  }
0xa8: {  	_ =	swait.ge [sflag:s31], $0x280  }
0xa9: {  	[sflag:s31] =	ssyncset.done $0x0  }
0xaa: {  	[sflag:s31] =	ssyncadd.s32 $0xFFFFFD80;
	s31 =	simm.s32 $0x9100  }
0xab: {  	[spmem:s10] =	stream.linear.scatter [tilespmem:s31], [sflag:$0xB], $0x1400, $0x38;
	[tilespmem:$0x15900] =	vst v63  }
0xac: {  	_ =	swait.ge [sflag:s17], $0x1400  }
0xad: {  	p0 =	seq.s32 s0, $0x5A00;
	[sflag:s17] =	ssyncset.done $0x0  }
0xae: {  	s10 =	sadd.s32 $0x280, s26;
	s31 =	rddreg [dreg:$0x11];
	[sflag:s17] =	ssyncadd.s32 $0xFFFFEC00  }
0xaf: {  	[hbm:s10], [sflag:s31] =	dma.local [spmem:s25], $0x280  }
0xb0: {  	s25 =	sshra.s32 @!p0 s0, $0x2  }
0xb1: {  	s31 =	simm.s32 @!p0 $0x28;
	s10 =	simm.s32 @!p0 $0x9100;
	s9 =	sadd.s32 @!p0 $0x2A8, s25  }
0xb2: {  	[tilespmem:s10], [sflag:$0x1] =	stream.indirect.gather @!p0 [hbm4b:s11+s31], $0x80, s9, s31, $0xb8;
	[tilespmem:$0x15900] =	vst v63  }
0xb3: {  	_ =	swait.ge [sflag:s14], $0x1400  }
0xb4: {  	[sflag:s14] =	ssyncset.done $0x0  }
0xb5: {  	s0 =	simm.s32 $0x12;
	[sflag:s14] =	ssyncadd.s32 $0xFFFFEC00  }
0xb6: {  	_ =	swait.ge [sflag:s0], $0x280  }
0xb7: {  	[sflag:s0] =	ssyncset.done $0x0  }
0xb8: {  	s9 =	simm.s32 $0xA500;
	[sflag:s0] =	ssyncadd.s32 $0xFFFFFD80  }
0xb9: {  	[spmem:s20] =	stream.linear.scatter [tilespmem:s9], [sflag:$0xC], $0x1400, $0x38;
	[tilespmem:$0x15900] =	vst v63  }
0xba: {  	_ =	swait.ge [sflag:s13], $0x1400  }
0xbb: {  	[sflag:s13] =	ssyncset.done $0x0;
	s20 =	rddreg [dreg:$0x12]  }
0xbc: {  	s10 =	sadd.s32 $0x500, s26;
	[sflag:s13] =	ssyncadd.s32 $0xFFFFEC00;
	s13 =	rddreg [dreg:$0x10]  }
0xbd: {  	[hbm:s10], [sflag:s20] =	dma.local [spmem:s13], $0x280  }
0xbe: {  	s9 =	sadd.s32 @!p0 $0x2D0, s25;
	s10 =	simm.s32 @!p0 $0xA500  }
0xbf: {  	[tilespmem:s10], [sflag:$0x2] =	stream.indirect.gather @!p0 [hbm4b:s11+s31], $0x80, s9, s31, $0xb8;
	[tilespmem:$0x15900] =	vst v63  }
0xc0: {  	_ =	swait.ge [sflag:s6], $0x1400  }
0xc1: {  	[sflag:s6] =	ssyncset.done $0x0  }
0xc2: {  	s0 =	simm.s32 $0x13;
	[sflag:s6] =	ssyncadd.s32 $0xFFFFEC00  }
0xc3: {  	_ =	swait.ge [sflag:s0], $0x280  }
0xc4: {  	[sflag:s0] =	ssyncset.done $0x0  }
0xc5: {  	s9 =	simm.s32 $0xB900;
	[sflag:s0] =	ssyncadd.s32 $0xFFFFFD80  }
0xc6: {  	[spmem:s22] =	stream.linear.scatter [tilespmem:s9], [sflag:$0xD], $0x1400, $0x38;
	[tilespmem:$0x15900] =	vst v63  }
0xc7: {  	_ =	swait.ge [sflag:s29], $0x1400  }
0xc8: {  	[sflag:s29] =	ssyncset.done $0x0;
	s13 =	rddreg [dreg:$0x13]  }
0xc9: {  	s10 =	sadd.s32 $0x780, s26;
	s22 =	rddreg [dreg:$0x14];
	[sflag:s29] =	ssyncadd.s32 $0xFFFFEC00  }
0xca: {  	[hbm:s10], [sflag:s22] =	dma.local [spmem:s13], $0x280  }
0xcb: {  	s9 =	sadd.s32 @!p0 $0x2F8, s25;
	s10 =	simm.s32 @!p0 $0xB900  }
0xcc: {  	[tilespmem:s10], [sflag:$0x3] =	stream.indirect.gather @!p0 [hbm4b:s11+s31], $0x80, s9, s31, $0xb8;
	[tilespmem:$0x15900] =	vst v63  }
0xcd: {  	_ =	swait.ge [sflag:s16], $0x1400  }
0xce: {  	[sflag:s16] =	ssyncset.done $0x0  }
0xcf: {  	s10 =	simm.s32 $0x14;
	[sflag:s16] =	ssyncadd.s32 $0xFFFFEC00  }
0xd0: {  	_ =	swait.ge [sflag:s10], $0x280  }
0xd1: {  	[sflag:s10] =	ssyncset.done $0x0  }
0xd2: {  	s13 =	simm.s32 $0xCD00;
	[sflag:s10] =	ssyncadd.s32 $0xFFFFFD80  }
0xd3: {  	[spmem:s24] =	stream.linear.scatter [tilespmem:s13], [sflag:$0xE], $0x1400, $0x38;
	[tilespmem:$0x15900] =	vst v63  }
0xd4: {  	_ =	swait.ge [sflag:s15], $0x1400  }
0xd5: {  	[sflag:s15] =	ssyncset.done $0x0  }
0xd6: {  	s22 =	sadd.s32 $0xC80, s26;
	s24 =	rddreg [dreg:$0x15];
	[sflag:s15] =	ssyncadd.s32 $0xFFFFEC00  }
0xd7: {  	[hbm:s22], [sflag:s24] =	dma.local [spmem:s3], $0x280  }
0xd8: {  	s9 =	simm.s32 @!p0 $0xCD00;
	s3 =	sadd.s32 @!p0 $0x348, s25  }
0xd9: {  	[tilespmem:s9], [sflag:$0x4] =	stream.indirect.gather @!p0 [hbm4b:s11+s31], $0x80, s3, s31, $0xb8;
	[tilespmem:$0x15900] =	vst v63  }
0xda: {  	_ =	swait.ge [sflag:s12], $0x1400  }
0xdb: {  	[sflag:s12] =	ssyncset.done $0x0  }
0xdc: {  	s0 =	simm.s32 $0x15;
	[sflag:s12] =	ssyncadd.s32 $0xFFFFEC00  }
0xdd: {  	_ =	swait.ge [sflag:s0], $0x280  }
0xde: {  	[sflag:s0] =	ssyncset.done $0x0  }
0xdf: {  	s3 =	simm.s32 $0xE100;
	[sflag:s0] =	ssyncadd.s32 $0xFFFFFD80  }
0xe0: {  	[spmem:s28] =	stream.linear.scatter [tilespmem:s3], [sflag:$0xF], $0x1400, $0x38;
	[tilespmem:$0x15900] =	vst v63  }
0xe1: {  	_ =	swait.ge [sflag:s4], $0x1400  }
0xe2: {  	[sflag:s4] =	ssyncset.done $0x0  }
0xe3: {  	s6 =	sadd.s32 $0xF00, s26;
	[sflag:s4] =	ssyncadd.s32 $0xFFFFEC00  }
0xe4: {  	[hbm:s6], [sflag:s21] =	dma.local [spmem:s5], $0x280  }
0xe5: {  	s3 =	sadd.s32 @!p0 $0x370, s25;
	s5 =	simm.s32 @!p0 $0xE100  }
0xe6: {  	[tilespmem:s5], [sflag:$0x5] =	stream.indirect.gather @!p0 [hbm4b:s11+s31], $0x80, s3, s31, $0xb8;
	[tilespmem:$0x15900] =	vst v63  }
0xe7: {  	_ =	swait.ge [sflag:s1], $0x1400  }
0xe8: {  	[sflag:s1] =	ssyncset.done $0x0  }
0xe9: {  	s12 =	simm.s32 $0x16;
	[sflag:s1] =	ssyncadd.s32 $0xFFFFEC00  }
0xea: {  	_ =	swait.ge [sflag:s12], $0x280  }
0xeb: {  	[sflag:s12] =	ssyncset.done $0x0  }
0xec: {  	s13 =	simm.s32 $0xF500;
	[sflag:s12] =	ssyncadd.s32 $0xFFFFFD80  }
0xed: {  	[spmem:s30] =	stream.linear.scatter [tilespmem:s13], [sflag:$0x10], $0x1400, $0x38;
	[tilespmem:$0x15900] =	vst v63  }
0xee: {  	_ =	swait.ge [sflag:s2], $0x1400  }
0xef: {  	s22 =	simm.s32 $0x9;
	s21 =	sadd.s32 $0x1180, s26;
	[sflag:s2] =	ssyncset.done $0x0  }
0xf0: {  	s3 =	sadd.s32 @!p0 $0x398, s25;
	s5 =	simm.s32 @!p0 $0xF500;
	[sflag:s2] =	ssyncadd.s32 $0xFFFFEC00  }
0xf1: {  	[hbm:s21], [sflag:s7] =	dma.local [spmem:s8], $0x280  }
0xf2: {  	[tilespmem:s5], [sflag:$0x6] =	stream.indirect.gather @!p0 [hbm4b:s11+s31], $0x80, s3, s31, $0xb8;
	[tilespmem:$0x15900] =	vst v63  }
0xf3: {  	_ =	swait.ge [sflag:s22], $0x1400  }
0xf4: {  	s18 =	simm.s32 $0x0;
	[sflag:s22] =	ssyncset.done $0x0  }
0xf5: {  	s24 =	simm.s32 $0x13100;
	s25 =	simm.s32 $0xA;
	[sflag:s22] =	ssyncadd.s32 $0xFFFFEC00  }
0xf6: {  	[hbm4b:s26+s18] =	stream.linear.scatter [tilespmem:s24], [sflag:$0x19], $0x1400, $0x38;
	[tilespmem:$0x15900] =	vst v63  }
0xf7: {  	s14 =	simm.s32 $0xA500;
	_ =	swait.ge [sflag:s25], $0x1400  }
0xf8: {  	s28 =	sadd.s32 $0xA00, s26;
	s30 =	simm.s32 $0x14500;
	[sflag:s25] =	ssyncset.done $0x0  }
.Ltmp2:
0xf9: {  	s31 =	simm.s32 $0x17;
	[sflag:s25] =	ssyncadd.s32 $0xFFFFEC00;
	(pc) =	sbr.rel @p0 .LBB2_4-.Ltmp2, $4  }
0xfa: {  	[hbm4b:s28+s18] =	stream.linear.scatter [tilespmem:s30], [sflag:$0x1A], $0x1400, $0x38;
	[tilespmem:$0x15900] =	vst v63  }
0xfb: {  	s20 =	simm.s32 $0xB900;
	s10 =	simm.s32 $0xCD00;
	_ =	swait.ge [sflag:s31], $0x1400  }
0xfc: {  	s9 =	simm.s32 $0xE100;
	s6 =	simm.s32 $0xF500;
	[sflag:s31] =	ssyncset.done $0x0  }
0xfd: {  	s12 =	simm.s32 $0x13100;
	s13 =	simm.s32 $0x14500;
	[sflag:s31] =	ssyncadd.s32 $0xFFFFEC00  }
0xfe: {  	s3 =	sadd.s32 $0x280, s23  }
0xff: {  	s0 =	simm.s32 $0x10900;
	s1 =	simm.s32 $0x28;
	s20 =	simm.s32 $0x18  }
0x100: {  	[tilespmem:s0], [sflag:$0x7] =	stream.indirect.gather [hbm4b:s11+s1], $0x80, s3, s1, $0xb8;
	[tilespmem:$0x15900] =	vst v63  }
0x101: {  	_ =	swait.ge [sflag:s20], $0x1400  }
0x102: {  	s21 =	sadd.s32 $0x320, s23;
	[sflag:s20] =	ssyncset.done $0x0  }
0x103: {  	s22 =	simm.s32 $0x11D00;
	s24 =	simm.s32 $0x19;
	[sflag:s20] =	ssyncadd.s32 $0xFFFFEC00  }
0x104: {  	[tilespmem:s22], [sflag:$0x8] =	stream.indirect.gather [hbm4b:s11+s1], $0x80, s21, s1, $0xb8;
	[tilespmem:$0x15900] =	vst v63  }
0x105: {  	_ =	swait.ge [sflag:s24], $0x1400  }
0x106: {  	[sflag:s24] =	ssyncset.done $0x0  }
0x107: {  	s25 =	sadd.s32 $0x3C0, s23;
	s28 =	simm.s32 $0x1A;
	[sflag:s24] =	ssyncadd.s32 $0xFFFFEC00  }
0x108: {  	[tilespmem:s12], [sflag:$0x9] =	stream.indirect.gather [hbm4b:s11+s1], $0x80, s25, s1, $0xb8;
	[tilespmem:$0x15900] =	vst v63  }
.Ltmp3:
0x109: {  	_ =	swait.ge [sflag:s28], $0x1400;
	(pc) =	sbr.rel .LBB2_2-.Ltmp3, $4  }
0x10a: {  	[sflag:s28] =	ssyncset.done $0x0;
	s31 =	rddreg [dreg:$0xf]  }
0x10b: {  	s30 =	sadd.s32 $0x460, s23;
	[sflag:s28] =	ssyncadd.s32 $0xFFFFEC00;
	s0 =	sadd.s32 $0xA00, s31  }
0x10c: {  	[tilespmem:s13], [sflag:$0xA] =	stream.indirect.gather [hbm4b:s11+s1], $0x80, s30, s1, $0xb8;
	[tilespmem:$0x15900] =	vst v63  }
0x10d: {  	s26 =	sadd.s32 $0x2800, s26;
	s18 =	simm.s32 $0x28;
	[dreg:$0xf] =	wrdreg s0  }
.LBB2_5:
0x10e: {  	_ =	sfence.sel $0x180000  }
0x10f: {  	[bflag:$0x0] =	sbarrier.arrive $0xFFFF  }
0x110: {  	_ =	strace $0x90000047  }
0x111: {  	s0 =	stileid.u32;
	[bflag:$0x2] =	sbarrier.arrive $0xFFFF  }
0x112: {  	p0 =	sne.s32 s0, $0x0;
	s0 =	rddreg [dreg:$0x4]  }
0x113: {  	s0 =	sadd.s32 @!p0 $0x100000, s0  }
0x114: {  	[sflag:s0] =	ssyncadd.tile.s32 @!p0 $0x1;
	_ =	shalt  }
.Lfunc_end2:
_tile_overlayer_lowered:
.L_overlay_start_2:
0x115: {  	(tag) =	ssettag $0x2  }
0x116: {  	s0 =	rddreg [dreg:$0x0];
	s2 =	stileid.u32  }
0x117: {  	s1 =	rddreg [dreg:$0x1];
	p0 =	sne.s32 s2, $0x0  }
0x118: {  	s3 =	rddreg [dreg:$0x2];
	[bflag:$0x3] =	sbarrier.arrive $0xFFFF;
	s2 =	simm.s32 @!p0 $0x1C1B  }
0x119: {  	[timem:s3], [sflag:s2] =	dma.local @!p0 [hbm:s0], s1  }
0x11a: {  	s0 =	simm.s32 @!p0 $0x1B  }
0x11b: {  	_ =	swait.ge @!p0 [sflag:s0], s1  }
0x11c: {  	s1 =	ssub.s32 @!p0 $0x0, s1;
	[sflag:s0] =	ssyncset.done @!p0 $0x0  }
0x11d: {  	[sflag:s0] =	ssyncadd.s32 @!p0 s1  }
0x11e: {  	[bflag:$0x3] =	sbarrier.arrive $0xFFFF  }
0x11f: {  	_ =	shalt  }

</sc_bundles>
